<compile_context>
chip_gen: v7x
topology: tpu7x:2x2x1
jax: 0.10.2.dev20260603
libtpu: 0.0.44.dev20260713+nightly
codegen_flags: <defaults>
</compile_context>

<pallas_src>
import functools

import jax
import jax.numpy as jnp
from jax import lax
from jax.experimental import pallas as pl
from jax.experimental.pallas import tpu as pltpu
from jax.experimental.pallas import tpu_sc as plsc

_M = 100000
_N = 16384
_D = 128

_NW = 32
_OWN_BIG = 3128
_OWN_SMALL = 3120
_BIG_TILES = 20
_SLOTS = 3136
_L = 16
_NVEC = _N // _L
_SVEC = _SLOTS // _L
_CHUNK = 112
_NFULL = 27
_TAIL_BIG = _OWN_BIG - _NFULL * _CHUNK
_TAIL_SMALL = _OWN_SMALL - _NFULL * _CHUNK
_MAXCH = 28
_COMP = _SLOTS + _L
_TSPAD = _N + 8


def _sc_body(nid_hbm, msgs_hbm, ts_hbm,
             mask_out, ts_out, msgs_out,
             nid_v, lane_buf, mask_v, ts_all_v, ts_o_v,
             comp_pos, comp_glb, glb2d,
             row_a, row_b, sem_a, sem_b, sem_z, sem_in):
    wid = lax.axis_index("s") * 2 + lax.axis_index("c")
    big = wid < _BIG_TILES
    base = wid * _OWN_BIG - jnp.maximum(wid - _BIG_TILES, 0) * 8
    own = jnp.where(big, _OWN_BIG, _OWN_SMALL)

    cp_nid = pltpu.async_copy(nid_hbm, nid_v, sem_in)
    cp_ts = pltpu.async_copy(ts_hbm, ts_all_v, sem_in)

    lanes = lax.iota(jnp.int32, _L)
    lane_off = lanes * _SLOTS
    minus1 = jnp.full((_L,), -1, jnp.int32)
    zerov = jnp.zeros((_L,), jnp.float32)

    with jax.named_scope("zero_buf"):
        def zb_body(i, c):
            for u in range(8):
                row_b[i, pl.ds(u * _L, _L)] = zerov
            return c
        lax.fori_loop(0, _CHUNK, zb_body, 0)

    with jax.named_scope("init_buf"):
        def init_body(i, c):
            for u in range(8):
                lane_buf[pl.ds(i * (8 * _L) + u * _L, _L)] = minus1
            return c
        lax.fori_loop(0, (_L * _SLOTS) // (8 * _L), init_body, 0)
        cp_nid.wait()
        cp_ts.wait()

    with jax.named_scope("zero_fill"):
        zcps = []
        for c in range(_NFULL):
            zcps.append(pltpu.async_copy(
                row_b, msgs_out.at[pl.ds(base + c * _CHUNK, _CHUNK)],
                sem_z))
        toff = _NFULL * _CHUNK

        @pl.when(big)
        def _():
            pltpu.async_copy(
                row_b.at[pl.ds(0, _TAIL_BIG)],
                msgs_out.at[pl.ds(base + toff, _TAIL_BIG)], sem_z).wait()

        @pl.when(jnp.logical_not(big))
        def _():
            pltpu.async_copy(
                row_b.at[pl.ds(0, _TAIL_SMALL)],
                msgs_out.at[pl.ds(base + toff, _TAIL_SMALL)], sem_z).wait()

    with jax.named_scope("scan_msgs"):
        def scan_body(j, c):
            for u in range(4):
                o = j * (4 * _L) + u * _L
                nids = nid_v[pl.ds(o, _L)]
                pos = lanes + o
                loc = nids - base
                inr = (loc >= 0) & (loc < own)
                safe = jnp.where(inr, loc, 0)
                plsc.store_scatter(lane_buf, [lane_off + safe], pos,
                                   mask=inr)
            return c
        lax.fori_loop(0, _NVEC // 4, scan_body, 0)

    with jax.named_scope("combine"):
        def comb_body(v, off):
            o = v * _L
            acc = lane_buf[pl.ds(o, _L)]
            for l in range(1, _L):
                acc = jnp.maximum(acc, lane_buf[pl.ds(l * _SLOTS + o, _L)])
            upd = acc >= 0
            mask_v[pl.ds(o, _L)] = jnp.where(upd, 1, 0).astype(jnp.int32)
            ts_o_v[pl.ds(o, _L)] = plsc.load_gather(
                ts_all_v, [jnp.where(upd, acc, _N)])
            plsc.store_compressed(comp_pos.at[pl.ds(off, _L)], acc,
                                  mask=upd)
            plsc.store_compressed(comp_glb.at[pl.ds(off, _L)],
                                  base + o + lanes, mask=upd)
            return off + plsc.all_reduce_population_count(upd)[0]
        nupd = lax.fori_loop(0, _SVEC, comb_body, 0)

        @pl.when(big)
        def _():
            pltpu.sync_copy(mask_v.at[pl.ds(0, _OWN_BIG)],
                            mask_out.at[pl.ds(base, _OWN_BIG)])
            pltpu.sync_copy(ts_o_v.at[pl.ds(0, _OWN_BIG)],
                            ts_out.at[pl.ds(base, _OWN_BIG)])

        @pl.when(jnp.logical_not(big))
        def _():
            pltpu.sync_copy(mask_v.at[pl.ds(0, _OWN_SMALL)],
                            mask_out.at[pl.ds(base, _OWN_SMALL)])
            pltpu.sync_copy(ts_o_v.at[pl.ds(0, _OWN_SMALL)],
                            ts_out.at[pl.ds(base, _OWN_SMALL)])

    with jax.named_scope("pad_pack"):
        nch = (nupd + (_CHUNK - 1)) // _CHUNK
        npad = nch * _CHUNK
        pos0 = jnp.full((_L,), comp_pos[pl.ds(0, _L)][0], jnp.int32)
        glb0 = jnp.full((_L,), comp_glb[pl.ds(0, _L)][0], jnp.int32)
        o0 = (nupd // _L) * _L
        keep = lanes < (nupd - o0)
        comp_pos[pl.ds(o0, _L)] = jnp.where(
            keep, comp_pos[pl.ds(o0, _L)], pos0)
        comp_glb[pl.ds(o0, _L)] = jnp.where(
            keep, comp_glb[pl.ds(o0, _L)], glb0)

        def pad_body(i, c):
            comp_pos[pl.ds(i * _L, _L)] = pos0
            comp_glb[pl.ds(i * _L, _L)] = glb0
            return c
        lax.fori_loop(o0 // _L + 1, nch * (_CHUNK // _L), pad_body, 0)

        def pack_body(r, c):
            for k in range(_CHUNK // _L):
                glb2d[r, pl.ds(k * _L, _L)] = \
                    comp_glb[pl.ds(r * _CHUNK + k * _L, _L)]
            return c
        lax.fori_loop(0, nch, pack_body, 0)

        for cp in zcps:
            cp.wait()

    with jax.named_scope("row_gather"):
        def pair_body(p, c):
            c0 = 2 * p
            c1 = 2 * p + 1
            g0 = pltpu.async_copy(
                msgs_hbm.at[comp_pos.at[pl.ds(c0 * _CHUNK, _CHUNK)]],
                row_a, sem_a)

            @pl.when(c1 < nch)
            def _():
                g1 = pltpu.async_copy(
                    msgs_hbm.at[comp_pos.at[pl.ds(c1 * _CHUNK, _CHUNK)]],
                    row_b, sem_b)
                g0.wait()
                pltpu.async_copy(
                    row_a, msgs_out.at[glb2d.at[c0]], sem_a).wait()
                g1.wait()
                pltpu.async_copy(
                    row_b, msgs_out.at[glb2d.at[c1]], sem_b).wait()

            @pl.when(c1 >= nch)
            def _():
                g0.wait()
                pltpu.async_copy(
                    row_a, msgs_out.at[glb2d.at[c0]], sem_a).wait()
            return c
        lax.fori_loop(0, (nch + 1) // 2, pair_body, 0)


@jax.jit
def _run(nid, msgs, ts_p):
    mesh = plsc.VectorSubcoreMesh(core_axis_name="c", subcore_axis_name="s")
    f = pl.kernel(
        _sc_body,
        out_type=[
            jax.ShapeDtypeStruct((_M,), jnp.int32),
            jax.ShapeDtypeStruct((_M,), jnp.float32),
            jax.ShapeDtypeStruct((_M, _D), jnp.float32),
        ],
        mesh=mesh,
        compiler_params=pltpu.CompilerParams(needs_layout_passes=False),
        scratch_types=[
            pltpu.VMEM((_N,), jnp.int32),
            pltpu.VMEM((_L * _SLOTS,), jnp.int32),
            pltpu.VMEM((_SLOTS,), jnp.int32),
            pltpu.VMEM((_TSPAD,), jnp.float32),
            pltpu.VMEM((_SLOTS,), jnp.float32),
            pltpu.VMEM((_COMP,), jnp.int32),
            pltpu.VMEM((_COMP,), jnp.int32),
            pltpu.VMEM((_MAXCH, _CHUNK), jnp.int32),
            pltpu.VMEM((_CHUNK, _D), jnp.float32),
            pltpu.VMEM((_CHUNK, _D), jnp.float32),
            pltpu.SemaphoreType.DMA,
            pltpu.SemaphoreType.DMA,
            pltpu.SemaphoreType.DMA,
            pltpu.SemaphoreType.DMA,
        ],
    )
    return f(nid, msgs, ts_p)


def kernel(node_ids, msgs, ts):
    nid = node_ids.astype(jnp.int32)
    ts_p = jnp.concatenate([ts, jnp.zeros((_TSPAD - _N,), ts.dtype)], axis=0)
    mask_i, ts_o, msgs_o = _run(nid, msgs, ts_p)
    return (mask_i.astype(bool), msgs_o, ts_o)

# --- scband reference (transcript-rebuilt; emitter-appended) ---
"""Pipeline reference for scband-last-memory-message-reducer-76759655514600 (READ-ONLY COPY).

The authoritative reference and input builder live on the scoring server;
editing this copy changes nothing except your own understanding.
"""

import jax, jax.numpy as jnp
import numpy as np

M = 100000  # number of memory slots / node ids
N = 16384   # number of incoming messages
D = 128     # message dim


def setup_inputs(seed: int = 0) -> dict:
    key = jax.random.key(seed)
    k1, k2, k3 = jax.random.split(key, 3)
    node_ids = jax.random.randint(k1, (N,), 0, M).astype(jnp.int64)
    msgs = jax.random.normal(k2, (N, D), dtype=jnp.float32)
    ts = jax.random.uniform(k3, (N,), dtype=jnp.float32)
    return {"node_ids": node_ids, "msgs": msgs, "ts": ts}


def reference(node_ids, msgs, ts):
    # Tensorized 'last message per unique node' reducer (TGN-style).
    # The original torch code walks a python dict messages[nid] (list appended
    # in arrival order) and keeps messages[nid][-1] for each unique nid.
    # Equivalently: for each node id, keep the message with the LARGEST
    # arrival position. We realize this with a segment_max over positions
    # (SparseCore-friendly segment reduce) followed by a gather.
    n = node_ids.shape[0]
    positions = jnp.arange(n, dtype=jnp.int32)
    # last arrival position per node; empty segments get int32 min
    last_pos = jax.ops.segment_max(positions, node_ids, num_segments=M)
    to_update_mask = last_pos >= 0  # nodes that received >= 1 message
    safe_pos = jnp.clip(last_pos, 0, n - 1)
    unique_messages = jnp.where(to_update_mask[:, None], msgs[safe_pos], 0.0)
    unique_timestamps = jnp.where(to_update_mask, ts[safe_pos], 0.0)
    # (to_update_nids as boolean mask, last message per node, last timestamp per node)
    return to_update_mask, unique_messages, unique_timestamps

if __name__ == "__main__":
    import jax
    _d = setup_inputs()
    print(jax.jit(kernel)(*tuple(_d.values())))

</pallas_src>

<mosaic_0001>
#map = affine_map<(d0, d1) -> (0)>
#map1 = affine_map<(d0, d1) -> (0, 0)>
module attributes {stable_mosaic.version = 14 : i64} {
  func.func @_sc_body(%arg0: i32, %arg1: i32, %arg2: memref<16384xi32, #tpu.memory_space<hbm>>, %arg3: memref<16384x128xf32, #tpu.memory_space<hbm>>, %arg4: memref<16392xf32, #tpu.memory_space<hbm>>, %arg5: memref<100000xi32, #tpu.memory_space<hbm>>, %arg6: memref<100000xf32, #tpu.memory_space<hbm>>, %arg7: memref<100000x128xf32, #tpu.memory_space<hbm>>, %arg8: memref<16384xi32, #tpu.memory_space<vmem>>, %arg9: memref<50176xi32, #tpu.memory_space<vmem>>, %arg10: memref<3136xi32, #tpu.memory_space<vmem>>, %arg11: memref<16392xf32, #tpu.memory_space<vmem>>, %arg12: memref<3136xf32, #tpu.memory_space<vmem>>, %arg13: memref<3152xi32, #tpu.memory_space<vmem>>, %arg14: memref<3152xi32, #tpu.memory_space<vmem>>, %arg15: memref<28x112xi32, #tpu.memory_space<vmem>>, %arg16: memref<112x128xf32, #tpu.memory_space<vmem>>, %arg17: memref<112x128xf32, #tpu.memory_space<vmem>>, %arg18: memref<!tpu.dma_semaphore, #tpu.memory_space<semaphore_mem>>, %arg19: memref<!tpu.dma_semaphore, #tpu.memory_space<semaphore_mem>>, %arg20: memref<!tpu.dma_semaphore, #tpu.memory_space<semaphore_mem>>, %arg21: memref<!tpu.dma_semaphore, #tpu.memory_space<semaphore_mem>>) attributes {dimension_semantics = [#tpu.dimension_semantics<core_parallel>, #tpu.dimension_semantics<subcore_parallel>], iteration_bounds = array<i64: 2, 16>, scalar_prefetch = 0 : i64, scratch_operands = 14 : i64, tpu.core_type = #tpu.core_type<sc_vector_subcore>, window_params = [{transform_indices = #map}, {transform_indices = #map1}, {transform_indices = #map}, {transform_indices = #map}, {transform_indices = #map}, {transform_indices = #map1}]} {
    %mul3A = arith.constant 2 : i32
    %mul3A_0 = arith.muli %arg1, %mul3A : i32
    %add3A = arith.addi %mul3A_0, %arg0 : i32
    %lt3A = arith.constant 20 : i32
    %lt3A_1 = arith.cmpi slt, %add3A, %lt3A : i32
    %mul3A_2 = arith.constant 3128 : i32
    %mul3A_3 = arith.muli %add3A, %mul3A_2 : i32
    %sub3A = arith.constant 20 : i32
    %sub3A_4 = arith.subi %add3A, %sub3A : i32
    %max3A = arith.constant 0 : i32
    %max3A_5 = arith.maxsi %sub3A_4, %max3A : i32
    %mul3A_6 = arith.constant 8 : i32
    %mul3A_7 = arith.muli %max3A_5, %mul3A_6 : i32
    %sub3A_8 = arith.subi %mul3A_3, %mul3A_7 : i32
    %jit3A = arith.constant 3128 : i32
    %jit3A_9 = arith.constant 3120 : i32
    %select_n3A = arith.select %lt3A_1, %jit3A, %jit3A_9 : i32
    tpu.enqueue_dma source(%arg2 : memref<16384xi32, #tpu.memory_space<hbm>>) target(%arg8 : memref<16384xi32, #tpu.memory_space<vmem>>) target_semaphore(%arg21 : memref<!tpu.dma_semaphore, #tpu.memory_space<semaphore_mem>>)
    tpu.enqueue_dma source(%arg4 : memref<16392xf32, #tpu.memory_space<hbm>>) target(%arg11 : memref<16392xf32, #tpu.memory_space<vmem>>) target_semaphore(%arg21 : memref<!tpu.dma_semaphore, #tpu.memory_space<semaphore_mem>>)
    %iota3A = tpu.iota {dimensions = array<i32: 0>} : vector<16xi32>
    %mul3A_10 = arith.constant 3136 : i32
    %mul3A_11 = vector.broadcast %mul3A_10 : i32 to vector<16xi32>
    %mul3A_12 = arith.muli %iota3A, %mul3A_11 : vector<16xi32>
    %broadcast_in_dim3A = arith.constant -1 : i32
    %broadcast_in_dim3A_13 = vector.broadcast %broadcast_in_dim3A : i32 to vector<16xi32>
    %broadcast_in_dim3A_14 = arith.constant 0.000000e+00 : f32
    %broadcast_in_dim3A_15 = vector.broadcast %broadcast_in_dim3A_14 : f32 to vector<16xf32>
    "tpu.trace_start"() <{level = 10 : i32, message = "zero_buf"}> : () -> ()
    %scan3A = arith.constant 0 : i32
    %scan3A_16 = arith.constant 0 : i32
    %scan3A_17 = arith.constant 112 : i32
    %scan3A_18 = arith.addi %scan3A_16, %scan3A_17 : i32
    %scan3A_19 = arith.constant 1 : i32
    scf.for %scan3A_471 = %scan3A_16 to %scan3A_18 step %scan3A_19  : i32 {
      %swap3A_472 = arith.index_cast %scan3A_471 : i32 to index
      %swap3A_473 = arith.constant 0 : index
      %swap3A_474 = tpu.vector_load %arg17[%swap3A_472, %swap3A_473] {strides = array<i32>} : memref<112x128xf32, #tpu.memory_space<vmem>>, vector<16xf32>,
      tpu.vector_store %arg17[%swap3A_472, %swap3A_473], %broadcast_in_dim3A_15 {strides = array<i32>} : memref<112x128xf32, #tpu.memory_space<vmem>>, vector<16xf32>,
      %swap3A_475 = arith.index_cast %scan3A_471 : i32 to index
      %swap3A_476 = arith.constant 16 : index
      %swap3A_477 = tpu.vector_load %arg17[%swap3A_475, %swap3A_476] {strides = array<i32>} : memref<112x128xf32, #tpu.memory_space<vmem>>, vector<16xf32>,
      tpu.vector_store %arg17[%swap3A_475, %swap3A_476], %broadcast_in_dim3A_15 {strides = array<i32>} : memref<112x128xf32, #tpu.memory_space<vmem>>, vector<16xf32>,
      %swap3A_478 = arith.index_cast %scan3A_471 : i32 to index
      %swap3A_479 = arith.constant 32 : index
      %swap3A_480 = tpu.vector_load %arg17[%swap3A_478, %swap3A_479] {strides = array<i32>} : memref<112x128xf32, #tpu.memory_space<vmem>>, vector<16xf32>,
      tpu.vector_store %arg17[%swap3A_478, %swap3A_479], %broadcast_in_dim3A_15 {strides = array<i32>} : memref<112x128xf32, #tpu.memory_space<vmem>>, vector<16xf32>,
      %swap3A_481 = arith.index_cast %scan3A_471 : i32 to index
      %swap3A_482 = arith.constant 48 : index
      %swap3A_483 = tpu.vector_load %arg17[%swap3A_481, %swap3A_482] {strides = array<i32>} : memref<112x128xf32, #tpu.memory_space<vmem>>, vector<16xf32>,
      tpu.vector_store %arg17[%swap3A_481, %swap3A_482], %broadcast_in_dim3A_15 {strides = array<i32>} : memref<112x128xf32, #tpu.memory_space<vmem>>, vector<16xf32>,
      %swap3A_484 = arith.index_cast %scan3A_471 : i32 to index
      %swap3A_485 = arith.constant 64 : index
      %swap3A_486 = tpu.vector_load %arg17[%swap3A_484, %swap3A_485] {strides = array<i32>} : memref<112x128xf32, #tpu.memory_space<vmem>>, vector<16xf32>,
      tpu.vector_store %arg17[%swap3A_484, %swap3A_485], %broadcast_in_dim3A_15 {strides = array<i32>} : memref<112x128xf32, #tpu.memory_space<vmem>>, vector<16xf32>,
      %swap3A_487 = arith.index_cast %scan3A_471 : i32 to index
      %swap3A_488 = arith.constant 80 : index
      %swap3A_489 = tpu.vector_load %arg17[%swap3A_487, %swap3A_488] {strides = array<i32>} : memref<112x128xf32, #tpu.memory_space<vmem>>, vector<16xf32>,
      tpu.vector_store %arg17[%swap3A_487, %swap3A_488], %broadcast_in_dim3A_15 {strides = array<i32>} : memref<112x128xf32, #tpu.memory_space<vmem>>, vector<16xf32>,
      %swap3A_490 = arith.index_cast %scan3A_471 : i32 to index
      %swap3A_491 = arith.constant 96 : index
      %swap3A_492 = tpu.vector_load %arg17[%swap3A_490, %swap3A_491] {strides = array<i32>} : memref<112x128xf32, #tpu.memory_space<vmem>>, vector<16xf32>,
      tpu.vector_store %arg17[%swap3A_490, %swap3A_491], %broadcast_in_dim3A_15 {strides = array<i32>} : memref<112x128xf32, #tpu.memory_space<vmem>>, vector<16xf32>,
      %swap3A_493 = arith.index_cast %scan3A_471 : i32 to index
      %swap3A_494 = arith.constant 112 : index
      %swap3A_495 = tpu.vector_load %arg17[%swap3A_493, %swap3A_494] {strides = array<i32>} : memref<112x128xf32, #tpu.memory_space<vmem>>, vector<16xf32>,
      tpu.vector_store %arg17[%swap3A_493, %swap3A_494], %broadcast_in_dim3A_15 {strides = array<i32>} : memref<112x128xf32, #tpu.memory_space<vmem>>, vector<16xf32>,
    }
    %scan3A_20 = arith.constant 112 : i32
    "tpu.trace_stop"() : () -> ()
    "tpu.trace_start"() <{level = 10 : i32, message = "init_buf"}> : () -> ()
    %scan3A_21 = arith.constant 0 : i32
    %scan3A_22 = arith.constant 0 : i32
    %scan3A_23 = arith.constant 392 : i32
    %scan3A_24 = arith.addi %scan3A_22, %scan3A_23 : i32
    %scan3A_25 = arith.constant 1 : i32
    scf.for %scan3A_471 = %scan3A_22 to %scan3A_24 step %scan3A_25  : i32 {
      %mul3A_472 = arith.constant 128 : i32
      %mul3A_473 = arith.muli %scan3A_471, %mul3A_472 : i32
      %add3A_474 = arith.constant 0 : i32
      %add3A_475 = arith.addi %mul3A_473, %add3A_474 : i32
      %swap3A_476 = arith.index_cast %add3A_475 : i32 to index
      %swap3A_477 = tpu.vector_load %arg9[%swap3A_476] {strides = array<i32>} : memref<50176xi32, #tpu.memory_space<vmem>>, vector<16xi32>,
      tpu.vector_store %arg9[%swap3A_476], %broadcast_in_dim3A_13 {strides = array<i32>} : memref<50176xi32, #tpu.memory_space<vmem>>, vector<16xi32>,
      %mul3A_478 = arith.constant 128 : i32
      %mul3A_479 = arith.muli %scan3A_471, %mul3A_478 : i32
      %add3A_480 = arith.constant 16 : i32
      %add3A_481 = arith.addi %mul3A_479, %add3A_480 : i32
      %swap3A_482 = arith.index_cast %add3A_481 : i32 to index
      %swap3A_483 = tpu.vector_load %arg9[%swap3A_482] {strides = array<i32>} : memref<50176xi32, #tpu.memory_space<vmem>>, vector<16xi32>,
      tpu.vector_store %arg9[%swap3A_482], %broadcast_in_dim3A_13 {strides = array<i32>} : memref<50176xi32, #tpu.memory_space<vmem>>, vector<16xi32>,
      %mul3A_484 = arith.constant 128 : i32
      %mul3A_485 = arith.muli %scan3A_471, %mul3A_484 : i32
      %add3A_486 = arith.constant 32 : i32
      %add3A_487 = arith.addi %mul3A_485, %add3A_486 : i32
      %swap3A_488 = arith.index_cast %add3A_487 : i32 to index
      %swap3A_489 = tpu.vector_load %arg9[%swap3A_488] {strides = array<i32>} : memref<50176xi32, #tpu.memory_space<vmem>>, vector<16xi32>,
      tpu.vector_store %arg9[%swap3A_488], %broadcast_in_dim3A_13 {strides = array<i32>} : memref<50176xi32, #tpu.memory_space<vmem>>, vector<16xi32>,
      %mul3A_490 = arith.constant 128 : i32
      %mul3A_491 = arith.muli %scan3A_471, %mul3A_490 : i32
      %add3A_492 = arith.constant 48 : i32
      %add3A_493 = arith.addi %mul3A_491, %add3A_492 : i32
      %swap3A_494 = arith.index_cast %add3A_493 : i32 to index
      %swap3A_495 = tpu.vector_load %arg9[%swap3A_494] {strides = array<i32>} : memref<50176xi32, #tpu.memory_space<vmem>>, vector<16xi32>,
      tpu.vector_store %arg9[%swap3A_494], %broadcast_in_dim3A_13 {strides = array<i32>} : memref<50176xi32, #tpu.memory_space<vmem>>, vector<16xi32>,
      %mul3A_496 = arith.constant 128 : i32
      %mul3A_497 = arith.muli %scan3A_471, %mul3A_496 : i32
      %add3A_498 = arith.constant 64 : i32
      %add3A_499 = arith.addi %mul3A_497, %add3A_498 : i32
      %swap3A_500 = arith.index_cast %add3A_499 : i32 to index
      %swap3A_501 = tpu.vector_load %arg9[%swap3A_500] {strides = array<i32>} : memref<50176xi32, #tpu.memory_space<vmem>>, vector<16xi32>,
      tpu.vector_store %arg9[%swap3A_500], %broadcast_in_dim3A_13 {strides = array<i32>} : memref<50176xi32, #tpu.memory_space<vmem>>, vector<16xi32>,
      %mul3A_502 = arith.constant 128 : i32
      %mul3A_503 = arith.muli %scan3A_471, %mul3A_502 : i32
      %add3A_504 = arith.constant 80 : i32
      %add3A_505 = arith.addi %mul3A_503, %add3A_504 : i32
      %swap3A_506 = arith.index_cast %add3A_505 : i32 to index
      %swap3A_507 = tpu.vector_load %arg9[%swap3A_506] {strides = array<i32>} : memref<50176xi32, #tpu.memory_space<vmem>>, vector<16xi32>,
      tpu.vector_store %arg9[%swap3A_506], %broadcast_in_dim3A_13 {strides = array<i32>} : memref<50176xi32, #tpu.memory_space<vmem>>, vector<16xi32>,
      %mul3A_508 = arith.constant 128 : i32
      %mul3A_509 = arith.muli %scan3A_471, %mul3A_508 : i32
      %add3A_510 = arith.constant 96 : i32
      %add3A_511 = arith.addi %mul3A_509, %add3A_510 : i32
      %swap3A_512 = arith.index_cast %add3A_511 : i32 to index
      %swap3A_513 = tpu.vector_load %arg9[%swap3A_512] {strides = array<i32>} : memref<50176xi32, #tpu.memory_space<vmem>>, vector<16xi32>,
      tpu.vector_store %arg9[%swap3A_512], %broadcast_in_dim3A_13 {strides = array<i32>} : memref<50176xi32, #tpu.memory_space<vmem>>, vector<16xi32>,
      %mul3A_514 = arith.constant 128 : i32
      %mul3A_515 = arith.muli %scan3A_471, %mul3A_514 : i32
      %add3A_516 = arith.constant 112 : i32
      %add3A_517 = arith.addi %mul3A_515, %add3A_516 : i32
      %swap3A_518 = arith.index_cast %add3A_517 : i32 to index
      %swap3A_519 = tpu.vector_load %arg9[%swap3A_518] {strides = array<i32>} : memref<50176xi32, #tpu.memory_space<vmem>>, vector<16xi32>,
      tpu.vector_store %arg9[%swap3A_518], %broadcast_in_dim3A_13 {strides = array<i32>} : memref<50176xi32, #tpu.memory_space<vmem>>, vector<16xi32>,
    }
    %scan3A_26 = arith.constant 392 : i32
    tpu.wait_dma2 semaphore(%arg21 : memref<!tpu.dma_semaphore, #tpu.memory_space<semaphore_mem>>) src(%arg2 : memref<16384xi32, #tpu.memory_space<hbm>>) dst(%arg8 : memref<16384xi32, #tpu.memory_space<vmem>>)
    tpu.wait_dma2 semaphore(%arg21 : memref<!tpu.dma_semaphore, #tpu.memory_space<semaphore_mem>>) src(%arg4 : memref<16392xf32, #tpu.memory_space<hbm>>) dst(%arg11 : memref<16392xf32, #tpu.memory_space<vmem>>)
    "tpu.trace_stop"() : () -> ()
    "tpu.trace_start"() <{level = 10 : i32, message = "zero_fill"}> : () -> ()
    %add3A_27 = arith.constant 0 : i32
    %add3A_28 = arith.addi %sub3A_8, %add3A_27 : i32
    %dma_start3A = arith.constant 0 : i32
    %dma_start3A_29 = tpu.memref_slice %arg7[%add3A_28, %dma_start3A] : memref<100000x128xf32, #tpu.memory_space<hbm>> -> memref<112x128xf32, #tpu.memory_space<hbm>>
    %dma_start3A_30 = arith.constant 0 : i32
    %dma_start3A_31 = tpu.memref_slice %arg7[%add3A_28, %dma_start3A_30] : memref<100000x128xf32, #tpu.memory_space<hbm>> -> memref<112x128xf32, #tpu.memory_space<hbm>>
    tpu.enqueue_dma source(%arg17 : memref<112x128xf32, #tpu.memory_space<vmem>>) target(%dma_start3A_31 : memref<112x128xf32, #tpu.memory_space<hbm>>) target_semaphore(%arg20 : memref<!tpu.dma_semaphore, #tpu.memory_space<semaphore_mem>>)
    %add3A_32 = arith.constant 112 : i32
    %add3A_33 = arith.addi %sub3A_8, %add3A_32 : i32
    %dma_start3A_34 = arith.constant 0 : i32
    %dma_start3A_35 = tpu.memref_slice %arg7[%add3A_33, %dma_start3A_34] : memref<100000x128xf32, #tpu.memory_space<hbm>> -> memref<112x128xf32, #tpu.memory_space<hbm>>
    %dma_start3A_36 = arith.constant 0 : i32
    %dma_start3A_37 = tpu.memref_slice %arg7[%add3A_33, %dma_start3A_36] : memref<100000x128xf32, #tpu.memory_space<hbm>> -> memref<112x128xf32, #tpu.memory_space<hbm>>
    tpu.enqueue_dma source(%arg17 : memref<112x128xf32, #tpu.memory_space<vmem>>) target(%dma_start3A_37 : memref<112x128xf32, #tpu.memory_space<hbm>>) target_semaphore(%arg20 : memref<!tpu.dma_semaphore, #tpu.memory_space<semaphore_mem>>)
    %add3A_38 = arith.constant 224 : i32
    %add3A_39 = arith.addi %sub3A_8, %add3A_38 : i32
    %dma_start3A_40 = arith.constant 0 : i32
    %dma_start3A_41 = tpu.memref_slice %arg7[%add3A_39, %dma_start3A_40] : memref<100000x128xf32, #tpu.memory_space<hbm>> -> memref<112x128xf32, #tpu.memory_space<hbm>>
    %dma_start3A_42 = arith.constant 0 : i32
    %dma_start3A_43 = tpu.memref_slice %arg7[%add3A_39, %dma_start3A_42] : memref<100000x128xf32, #tpu.memory_space<hbm>> -> memref<112x128xf32, #tpu.memory_space<hbm>>
    tpu.enqueue_dma source(%arg17 : memref<112x128xf32, #tpu.memory_space<vmem>>) target(%dma_start3A_43 : memref<112x128xf32, #tpu.memory_space<hbm>>) target_semaphore(%arg20 : memref<!tpu.dma_semaphore, #tpu.memory_space<semaphore_mem>>)
    %add3A_44 = arith.constant 336 : i32
    %add3A_45 = arith.addi %sub3A_8, %add3A_44 : i32
    %dma_start3A_46 = arith.constant 0 : i32
    %dma_start3A_47 = tpu.memref_slice %arg7[%add3A_45, %dma_start3A_46] : memref<100000x128xf32, #tpu.memory_space<hbm>> -> memref<112x128xf32, #tpu.memory_space<hbm>>
    %dma_start3A_48 = arith.constant 0 : i32
    %dma_start3A_49 = tpu.memref_slice %arg7[%add3A_45, %dma_start3A_48] : memref<100000x128xf32, #tpu.memory_space<hbm>> -> memref<112x128xf32, #tpu.memory_space<hbm>>
    tpu.enqueue_dma source(%arg17 : memref<112x128xf32, #tpu.memory_space<vmem>>) target(%dma_start3A_49 : memref<112x128xf32, #tpu.memory_space<hbm>>) target_semaphore(%arg20 : memref<!tpu.dma_semaphore, #tpu.memory_space<semaphore_mem>>)
    %add3A_50 = arith.constant 448 : i32
    %add3A_51 = arith.addi %sub3A_8, %add3A_50 : i32
    %dma_start3A_52 = arith.constant 0 : i32
    %dma_start3A_53 = tpu.memref_slice %arg7[%add3A_51, %dma_start3A_52] : memref<100000x128xf32, #tpu.memory_space<hbm>> -> memref<112x128xf32, #tpu.memory_space<hbm>>
    %dma_start3A_54 = arith.constant 0 : i32
    %dma_start3A_55 = tpu.memref_slice %arg7[%add3A_51, %dma_start3A_54] : memref<100000x128xf32, #tpu.memory_space<hbm>> -> memref<112x128xf32, #tpu.memory_space<hbm>>
    tpu.enqueue_dma source(%arg17 : memref<112x128xf32, #tpu.memory_space<vmem>>) target(%dma_start3A_55 : memref<112x128xf32, #tpu.memory_space<hbm>>) target_semaphore(%arg20 : memref<!tpu.dma_semaphore, #tpu.memory_space<semaphore_mem>>)
    %add3A_56 = arith.constant 560 : i32
    %add3A_57 = arith.addi %sub3A_8, %add3A_56 : i32
    %dma_start3A_58 = arith.constant 0 : i32
    %dma_start3A_59 = tpu.memref_slice %arg7[%add3A_57, %dma_start3A_58] : memref<100000x128xf32, #tpu.memory_space<hbm>> -> memref<112x128xf32, #tpu.memory_space<hbm>>
    %dma_start3A_60 = arith.constant 0 : i32
    %dma_start3A_61 = tpu.memref_slice %arg7[%add3A_57, %dma_start3A_60] : memref<100000x128xf32, #tpu.memory_space<hbm>> -> memref<112x128xf32, #tpu.memory_space<hbm>>
    tpu.enqueue_dma source(%arg17 : memref<112x128xf32, #tpu.memory_space<vmem>>) target(%dma_start3A_61 : memref<112x128xf32, #tpu.memory_space<hbm>>) target_semaphore(%arg20 : memref<!tpu.dma_semaphore, #tpu.memory_space<semaphore_mem>>)
    %add3A_62 = arith.constant 672 : i32
    %add3A_63 = arith.addi %sub3A_8, %add3A_62 : i32
    %dma_start3A_64 = arith.constant 0 : i32
    %dma_start3A_65 = tpu.memref_slice %arg7[%add3A_63, %dma_start3A_64] : memref<100000x128xf32, #tpu.memory_space<hbm>> -> memref<112x128xf32, #tpu.memory_space<hbm>>
    %dma_start3A_66 = arith.constant 0 : i32
    %dma_start3A_67 = tpu.memref_slice %arg7[%add3A_63, %dma_start3A_66] : memref<100000x128xf32, #tpu.memory_space<hbm>> -> memref<112x128xf32, #tpu.memory_space<hbm>>
    tpu.enqueue_dma source(%arg17 : memref<112x128xf32, #tpu.memory_space<vmem>>) target(%dma_start3A_67 : memref<112x128xf32, #tpu.memory_space<hbm>>) target_semaphore(%arg20 : memref<!tpu.dma_semaphore, #tpu.memory_space<semaphore_mem>>)
    %add3A_68 = arith.constant 784 : i32
    %add3A_69 = arith.addi %sub3A_8, %add3A_68 : i32
    %dma_start3A_70 = arith.constant 0 : i32
    %dma_start3A_71 = tpu.memref_slice %arg7[%add3A_69, %dma_start3A_70] : memref<100000x128xf32, #tpu.memory_space<hbm>> -> memref<112x128xf32, #tpu.memory_space<hbm>>
    %dma_start3A_72 = arith.constant 0 : i32
    %dma_start3A_73 = tpu.memref_slice %arg7[%add3A_69, %dma_start3A_72] : memref<100000x128xf32, #tpu.memory_space<hbm>> -> memref<112x128xf32, #tpu.memory_space<hbm>>
    tpu.enqueue_dma source(%arg17 : memref<112x128xf32, #tpu.memory_space<vmem>>) target(%dma_start3A_73 : memref<112x128xf32, #tpu.memory_space<hbm>>) target_semaphore(%arg20 : memref<!tpu.dma_semaphore, #tpu.memory_space<semaphore_mem>>)
    %add3A_74 = arith.constant 896 : i32
    %add3A_75 = arith.addi %sub3A_8, %add3A_74 : i32
    %dma_start3A_76 = arith.constant 0 : i32
    %dma_start3A_77 = tpu.memref_slice %arg7[%add3A_75, %dma_start3A_76] : memref<100000x128xf32, #tpu.memory_space<hbm>> -> memref<112x128xf32, #tpu.memory_space<hbm>>
    %dma_start3A_78 = arith.constant 0 : i32
    %dma_start3A_79 = tpu.memref_slice %arg7[%add3A_75, %dma_start3A_78] : memref<100000x128xf32, #tpu.memory_space<hbm>> -> memref<112x128xf32, #tpu.memory_space<hbm>>
    tpu.enqueue_dma source(%arg17 : memref<112x128xf32, #tpu.memory_space<vmem>>) target(%dma_start3A_79 : memref<112x128xf32, #tpu.memory_space<hbm>>) target_semaphore(%arg20 : memref<!tpu.dma_semaphore, #tpu.memory_space<semaphore_mem>>)
    %add3A_80 = arith.constant 1008 : i32
    %add3A_81 = arith.addi %sub3A_8, %add3A_80 : i32
    %dma_start3A_82 = arith.constant 0 : i32
    %dma_start3A_83 = tpu.memref_slice %arg7[%add3A_81, %dma_start3A_82] : memref<100000x128xf32, #tpu.memory_space<hbm>> -> memref<112x128xf32, #tpu.memory_space<hbm>>
    %dma_start3A_84 = arith.constant 0 : i32
    %dma_start3A_85 = tpu.memref_slice %arg7[%add3A_81, %dma_start3A_84] : memref<100000x128xf32, #tpu.memory_space<hbm>> -> memref<112x128xf32, #tpu.memory_space<hbm>>
    tpu.enqueue_dma source(%arg17 : memref<112x128xf32, #tpu.memory_space<vmem>>) target(%dma_start3A_85 : memref<112x128xf32, #tpu.memory_space<hbm>>) target_semaphore(%arg20 : memref<!tpu.dma_semaphore, #tpu.memory_space<semaphore_mem>>)
    %add3A_86 = arith.constant 1120 : i32
    %add3A_87 = arith.addi %sub3A_8, %add3A_86 : i32
    %dma_start3A_88 = arith.constant 0 : i32
    %dma_start3A_89 = tpu.memref_slice %arg7[%add3A_87, %dma_start3A_88] : memref<100000x128xf32, #tpu.memory_space<hbm>> -> memref<112x128xf32, #tpu.memory_space<hbm>>
    %dma_start3A_90 = arith.constant 0 : i32
    %dma_start3A_91 = tpu.memref_slice %arg7[%add3A_87, %dma_start3A_90] : memref<100000x128xf32, #tpu.memory_space<hbm>> -> memref<112x128xf32, #tpu.memory_space<hbm>>
    tpu.enqueue_dma source(%arg17 : memref<112x128xf32, #tpu.memory_space<vmem>>) target(%dma_start3A_91 : memref<112x128xf32, #tpu.memory_space<hbm>>) target_semaphore(%arg20 : memref<!tpu.dma_semaphore, #tpu.memory_space<semaphore_mem>>)
    %add3A_92 = arith.constant 1232 : i32
    %add3A_93 = arith.addi %sub3A_8, %add3A_92 : i32
    %dma_start3A_94 = arith.constant 0 : i32
    %dma_start3A_95 = tpu.memref_slice %arg7[%add3A_93, %dma_start3A_94] : memref<100000x128xf32, #tpu.memory_space<hbm>> -> memref<112x128xf32, #tpu.memory_space<hbm>>
    %dma_start3A_96 = arith.constant 0 : i32
    %dma_start3A_97 = tpu.memref_slice %arg7[%add3A_93, %dma_start3A_96] : memref<100000x128xf32, #tpu.memory_space<hbm>> -> memref<112x128xf32, #tpu.memory_space<hbm>>
    tpu.enqueue_dma source(%arg17 : memref<112x128xf32, #tpu.memory_space<vmem>>) target(%dma_start3A_97 : memref<112x128xf32, #tpu.memory_space<hbm>>) target_semaphore(%arg20 : memref<!tpu.dma_semaphore, #tpu.memory_space<semaphore_mem>>)
    %add3A_98 = arith.constant 1344 : i32
    %add3A_99 = arith.addi %sub3A_8, %add3A_98 : i32
    %dma_start3A_100 = arith.constant 0 : i32
    %dma_start3A_101 = tpu.memref_slice %arg7[%add3A_99, %dma_start3A_100] : memref<100000x128xf32, #tpu.memory_space<hbm>> -> memref<112x128xf32, #tpu.memory_space<hbm>>
    %dma_start3A_102 = arith.constant 0 : i32
    %dma_start3A_103 = tpu.memref_slice %arg7[%add3A_99, %dma_start3A_102] : memref<100000x128xf32, #tpu.memory_space<hbm>> -> memref<112x128xf32, #tpu.memory_space<hbm>>
    tpu.enqueue_dma source(%arg17 : memref<112x128xf32, #tpu.memory_space<vmem>>) target(%dma_start3A_103 : memref<112x128xf32, #tpu.memory_space<hbm>>) target_semaphore(%arg20 : memref<!tpu.dma_semaphore, #tpu.memory_space<semaphore_mem>>)
    %add3A_104 = arith.constant 1456 : i32
    %add3A_105 = arith.addi %sub3A_8, %add3A_104 : i32
    %dma_start3A_106 = arith.constant 0 : i32
    %dma_start3A_107 = tpu.memref_slice %arg7[%add3A_105, %dma_start3A_106] : memref<100000x128xf32, #tpu.memory_space<hbm>> -> memref<112x128xf32, #tpu.memory_space<hbm>>
    %dma_start3A_108 = arith.constant 0 : i32
    %dma_start3A_109 = tpu.memref_slice %arg7[%add3A_105, %dma_start3A_108] : memref<100000x128xf32, #tpu.memory_space<hbm>> -> memref<112x128xf32, #tpu.memory_space<hbm>>
    tpu.enqueue_dma source(%arg17 : memref<112x128xf32, #tpu.memory_space<vmem>>) target(%dma_start3A_109 : memref<112x128xf32, #tpu.memory_space<hbm>>) target_semaphore(%arg20 : memref<!tpu.dma_semaphore, #tpu.memory_space<semaphore_mem>>)
    %add3A_110 = arith.constant 1568 : i32
    %add3A_111 = arith.addi %sub3A_8, %add3A_110 : i32
    %dma_start3A_112 = arith.constant 0 : i32
    %dma_start3A_113 = tpu.memref_slice %arg7[%add3A_111, %dma_start3A_112] : memref<100000x128xf32, #tpu.memory_space<hbm>> -> memref<112x128xf32, #tpu.memory_space<hbm>>
    %dma_start3A_114 = arith.constant 0 : i32
    %dma_start3A_115 = tpu.memref_slice %arg7[%add3A_111, %dma_start3A_114] : memref<100000x128xf32, #tpu.memory_space<hbm>> -> memref<112x128xf32, #tpu.memory_space<hbm>>
    tpu.enqueue_dma source(%arg17 : memref<112x128xf32, #tpu.memory_space<vmem>>) target(%dma_start3A_115 : memref<112x128xf32, #tpu.memory_space<hbm>>) target_semaphore(%arg20 : memref<!tpu.dma_semaphore, #tpu.memory_space<semaphore_mem>>)
    %add3A_116 = arith.constant 1680 : i32
    %add3A_117 = arith.addi %sub3A_8, %add3A_116 : i32
    %dma_start3A_118 = arith.constant 0 : i32
    %dma_start3A_119 = tpu.memref_slice %arg7[%add3A_117, %dma_start3A_118] : memref<100000x128xf32, #tpu.memory_space<hbm>> -> memref<112x128xf32, #tpu.memory_space<hbm>>
    %dma_start3A_120 = arith.constant 0 : i32
    %dma_start3A_121 = tpu.memref_slice %arg7[%add3A_117, %dma_start3A_120] : memref<100000x128xf32, #tpu.memory_space<hbm>> -> memref<112x128xf32, #tpu.memory_space<hbm>>
    tpu.enqueue_dma source(%arg17 : memref<112x128xf32, #tpu.memory_space<vmem>>) target(%dma_start3A_121 : memref<112x128xf32, #tpu.memory_space<hbm>>) target_semaphore(%arg20 : memref<!tpu.dma_semaphore, #tpu.memory_space<semaphore_mem>>)
    %add3A_122 = arith.constant 1792 : i32
    %add3A_123 = arith.addi %sub3A_8, %add3A_122 : i32
    %dma_start3A_124 = arith.constant 0 : i32
    %dma_start3A_125 = tpu.memref_slice %arg7[%add3A_123, %dma_start3A_124] : memref<100000x128xf32, #tpu.memory_space<hbm>> -> memref<112x128xf32, #tpu.memory_space<hbm>>
    %dma_start3A_126 = arith.constant 0 : i32
    %dma_start3A_127 = tpu.memref_slice %arg7[%add3A_123, %dma_start3A_126] : memref<100000x128xf32, #tpu.memory_space<hbm>> -> memref<112x128xf32, #tpu.memory_space<hbm>>
    tpu.enqueue_dma source(%arg17 : memref<112x128xf32, #tpu.memory_space<vmem>>) target(%dma_start3A_127 : memref<112x128xf32, #tpu.memory_space<hbm>>) target_semaphore(%arg20 : memref<!tpu.dma_semaphore, #tpu.memory_space<semaphore_mem>>)
    %add3A_128 = arith.constant 1904 : i32
    %add3A_129 = arith.addi %sub3A_8, %add3A_128 : i32
    %dma_start3A_130 = arith.constant 0 : i32
    %dma_start3A_131 = tpu.memref_slice %arg7[%add3A_129, %dma_start3A_130] : memref<100000x128xf32, #tpu.memory_space<hbm>> -> memref<112x128xf32, #tpu.memory_space<hbm>>
    %dma_start3A_132 = arith.constant 0 : i32
    %dma_start3A_133 = tpu.memref_slice %arg7[%add3A_129, %dma_start3A_132] : memref<100000x128xf32, #tpu.memory_space<hbm>> -> memref<112x128xf32, #tpu.memory_space<hbm>>
    tpu.enqueue_dma source(%arg17 : memref<112x128xf32, #tpu.memory_space<vmem>>) target(%dma_start3A_133 : memref<112x128xf32, #tpu.memory_space<hbm>>) target_semaphore(%arg20 : memref<!tpu.dma_semaphore, #tpu.memory_space<semaphore_mem>>)
    %add3A_134 = arith.constant 2016 : i32
    %add3A_135 = arith.addi %sub3A_8, %add3A_134 : i32
    %dma_start3A_136 = arith.constant 0 : i32
    %dma_start3A_137 = tpu.memref_slice %arg7[%add3A_135, %dma_start3A_136] : memref<100000x128xf32, #tpu.memory_space<hbm>> -> memref<112x128xf32, #tpu.memory_space<hbm>>
    %dma_start3A_138 = arith.constant 0 : i32
    %dma_start3A_139 = tpu.memref_slice %arg7[%add3A_135, %dma_start3A_138] : memref<100000x128xf32, #tpu.memory_space<hbm>> -> memref<112x128xf32, #tpu.memory_space<hbm>>
    tpu.enqueue_dma source(%arg17 : memref<112x128xf32, #tpu.memory_space<vmem>>) target(%dma_start3A_139 : memref<112x128xf32, #tpu.memory_space<hbm>>) target_semaphore(%arg20 : memref<!tpu.dma_semaphore, #tpu.memory_space<semaphore_mem>>)
    %add3A_140 = arith.constant 2128 : i32
    %add3A_141 = arith.addi %sub3A_8, %add3A_140 : i32
    %dma_start3A_142 = arith.constant 0 : i32
    %dma_start3A_143 = tpu.memref_slice %arg7[%add3A_141, %dma_start3A_142] : memref<100000x128xf32, #tpu.memory_space<hbm>> -> memref<112x128xf32, #tpu.memory_space<hbm>>
    %dma_start3A_144 = arith.constant 0 : i32
    %dma_start3A_145 = tpu.memref_slice %arg7[%add3A_141, %dma_start3A_144] : memref<100000x128xf32, #tpu.memory_space<hbm>> -> memref<112x128xf32, #tpu.memory_space<hbm>>
    tpu.enqueue_dma source(%arg17 : memref<112x128xf32, #tpu.memory_space<vmem>>) target(%dma_start3A_145 : memref<112x128xf32, #tpu.memory_space<hbm>>) target_semaphore(%arg20 : memref<!tpu.dma_semaphore, #tpu.memory_space<semaphore_mem>>)
    %add3A_146 = arith.constant 2240 : i32
    %add3A_147 = arith.addi %sub3A_8, %add3A_146 : i32
    %dma_start3A_148 = arith.constant 0 : i32
    %dma_start3A_149 = tpu.memref_slice %arg7[%add3A_147, %dma_start3A_148] : memref<100000x128xf32, #tpu.memory_space<hbm>> -> memref<112x128xf32, #tpu.memory_space<hbm>>
    %dma_start3A_150 = arith.constant 0 : i32
    %dma_start3A_151 = tpu.memref_slice %arg7[%add3A_147, %dma_start3A_150] : memref<100000x128xf32, #tpu.memory_space<hbm>> -> memref<112x128xf32, #tpu.memory_space<hbm>>
    tpu.enqueue_dma source(%arg17 : memref<112x128xf32, #tpu.memory_space<vmem>>) target(%dma_start3A_151 : memref<112x128xf32, #tpu.memory_space<hbm>>) target_semaphore(%arg20 : memref<!tpu.dma_semaphore, #tpu.memory_space<semaphore_mem>>)
    %add3A_152 = arith.constant 2352 : i32
    %add3A_153 = arith.addi %sub3A_8, %add3A_152 : i32
    %dma_start3A_154 = arith.constant 0 : i32
    %dma_start3A_155 = tpu.memref_slice %arg7[%add3A_153, %dma_start3A_154] : memref<100000x128xf32, #tpu.memory_space<hbm>> -> memref<112x128xf32, #tpu.memory_space<hbm>>
    %dma_start3A_156 = arith.constant 0 : i32
    %dma_start3A_157 = tpu.memref_slice %arg7[%add3A_153, %dma_start3A_156] : memref<100000x128xf32, #tpu.memory_space<hbm>> -> memref<112x128xf32, #tpu.memory_space<hbm>>
    tpu.enqueue_dma source(%arg17 : memref<112x128xf32, #tpu.memory_space<vmem>>) target(%dma_start3A_157 : memref<112x128xf32, #tpu.memory_space<hbm>>) target_semaphore(%arg20 : memref<!tpu.dma_semaphore, #tpu.memory_space<semaphore_mem>>)
    %add3A_158 = arith.constant 2464 : i32
    %add3A_159 = arith.addi %sub3A_8, %add3A_158 : i32
    %dma_start3A_160 = arith.constant 0 : i32
    %dma_start3A_161 = tpu.memref_slice %arg7[%add3A_159, %dma_start3A_160] : memref<100000x128xf32, #tpu.memory_space<hbm>> -> memref<112x128xf32, #tpu.memory_space<hbm>>
    %dma_start3A_162 = arith.constant 0 : i32
    %dma_start3A_163 = tpu.memref_slice %arg7[%add3A_159, %dma_start3A_162] : memref<100000x128xf32, #tpu.memory_space<hbm>> -> memref<112x128xf32, #tpu.memory_space<hbm>>
    tpu.enqueue_dma source(%arg17 : memref<112x128xf32, #tpu.memory_space<vmem>>) target(%dma_start3A_163 : memref<112x128xf32, #tpu.memory_space<hbm>>) target_semaphore(%arg20 : memref<!tpu.dma_semaphore, #tpu.memory_space<semaphore_mem>>)
    %add3A_164 = arith.constant 2576 : i32
    %add3A_165 = arith.addi %sub3A_8, %add3A_164 : i32
    %dma_start3A_166 = arith.constant 0 : i32
    %dma_start3A_167 = tpu.memref_slice %arg7[%add3A_165, %dma_start3A_166] : memref<100000x128xf32, #tpu.memory_space<hbm>> -> memref<112x128xf32, #tpu.memory_space<hbm>>
    %dma_start3A_168 = arith.constant 0 : i32
    %dma_start3A_169 = tpu.memref_slice %arg7[%add3A_165, %dma_start3A_168] : memref<100000x128xf32, #tpu.memory_space<hbm>> -> memref<112x128xf32, #tpu.memory_space<hbm>>
    tpu.enqueue_dma source(%arg17 : memref<112x128xf32, #tpu.memory_space<vmem>>) target(%dma_start3A_169 : memref<112x128xf32, #tpu.memory_space<hbm>>) target_semaphore(%arg20 : memref<!tpu.dma_semaphore, #tpu.memory_space<semaphore_mem>>)
    %add3A_170 = arith.constant 2688 : i32
    %add3A_171 = arith.addi %sub3A_8, %add3A_170 : i32
    %dma_start3A_172 = arith.constant 0 : i32
    %dma_start3A_173 = tpu.memref_slice %arg7[%add3A_171, %dma_start3A_172] : memref<100000x128xf32, #tpu.memory_space<hbm>> -> memref<112x128xf32, #tpu.memory_space<hbm>>
    %dma_start3A_174 = arith.constant 0 : i32
    %dma_start3A_175 = tpu.memref_slice %arg7[%add3A_171, %dma_start3A_174] : memref<100000x128xf32, #tpu.memory_space<hbm>> -> memref<112x128xf32, #tpu.memory_space<hbm>>
    tpu.enqueue_dma source(%arg17 : memref<112x128xf32, #tpu.memory_space<vmem>>) target(%dma_start3A_175 : memref<112x128xf32, #tpu.memory_space<hbm>>) target_semaphore(%arg20 : memref<!tpu.dma_semaphore, #tpu.memory_space<semaphore_mem>>)
    %add3A_176 = arith.constant 2800 : i32
    %add3A_177 = arith.addi %sub3A_8, %add3A_176 : i32
    %dma_start3A_178 = arith.constant 0 : i32
    %dma_start3A_179 = tpu.memref_slice %arg7[%add3A_177, %dma_start3A_178] : memref<100000x128xf32, #tpu.memory_space<hbm>> -> memref<112x128xf32, #tpu.memory_space<hbm>>
    %dma_start3A_180 = arith.constant 0 : i32
    %dma_start3A_181 = tpu.memref_slice %arg7[%add3A_177, %dma_start3A_180] : memref<100000x128xf32, #tpu.memory_space<hbm>> -> memref<112x128xf32, #tpu.memory_space<hbm>>
    tpu.enqueue_dma source(%arg17 : memref<112x128xf32, #tpu.memory_space<vmem>>) target(%dma_start3A_181 : memref<112x128xf32, #tpu.memory_space<hbm>>) target_semaphore(%arg20 : memref<!tpu.dma_semaphore, #tpu.memory_space<semaphore_mem>>)
    %add3A_182 = arith.constant 2912 : i32
    %add3A_183 = arith.addi %sub3A_8, %add3A_182 : i32
    %dma_start3A_184 = arith.constant 0 : i32
    %dma_start3A_185 = tpu.memref_slice %arg7[%add3A_183, %dma_start3A_184] : memref<100000x128xf32, #tpu.memory_space<hbm>> -> memref<112x128xf32, #tpu.memory_space<hbm>>
    %dma_start3A_186 = arith.constant 0 : i32
    %dma_start3A_187 = tpu.memref_slice %arg7[%add3A_183, %dma_start3A_186] : memref<100000x128xf32, #tpu.memory_space<hbm>> -> memref<112x128xf32, #tpu.memory_space<hbm>>
    tpu.enqueue_dma source(%arg17 : memref<112x128xf32, #tpu.memory_space<vmem>>) target(%dma_start3A_187 : memref<112x128xf32, #tpu.memory_space<hbm>>) target_semaphore(%arg20 : memref<!tpu.dma_semaphore, #tpu.memory_space<semaphore_mem>>)
    %convert_element_type3A = arith.extui %lt3A_1 : i1 to i32
    %cond3A = arith.constant 0 : i32
    %cond3A_188 = arith.cmpi ne, %convert_element_type3A, %cond3A : i32
    scf.if %cond3A_188 {
      %add3A_471 = arith.constant 3024 : i32
      %add3A_472 = arith.addi %sub3A_8, %add3A_471 : i32
      %dma_start3A_473 = arith.constant 0 : i32
      %dma_start3A_474 = arith.constant 0 : i32
      %dma_start3A_475 = tpu.memref_slice %arg17[%dma_start3A_473, %dma_start3A_474] : memref<112x128xf32, #tpu.memory_space<vmem>> -> memref<104x128xf32, #tpu.memory_space<vmem>>
      %dma_start3A_476 = arith.constant 0 : i32
      %dma_start3A_477 = tpu.memref_slice %arg7[%add3A_472, %dma_start3A_476] : memref<100000x128xf32, #tpu.memory_space<hbm>> -> memref<104x128xf32, #tpu.memory_space<hbm>>
      %dma_start3A_478 = arith.constant 0 : i32
      %dma_start3A_479 = tpu.memref_slice %arg7[%add3A_472, %dma_start3A_478] : memref<100000x128xf32, #tpu.memory_space<hbm>> -> memref<104x128xf32, #tpu.memory_space<hbm>>
      %dma_start3A_480 = arith.constant 0 : i32
      %dma_start3A_481 = arith.constant 0 : i32
      %dma_start3A_482 = tpu.memref_slice %arg17[%dma_start3A_480, %dma_start3A_481] : memref<112x128xf32, #tpu.memory_space<vmem>> -> memref<104x128xf32, #tpu.memory_space<vmem>>
      tpu.enqueue_dma source(%dma_start3A_482 : memref<104x128xf32, #tpu.memory_space<vmem>>) target(%dma_start3A_479 : memref<104x128xf32, #tpu.memory_space<hbm>>) target_semaphore(%arg20 : memref<!tpu.dma_semaphore, #tpu.memory_space<semaphore_mem>>)
      %dma_wait3A_483 = arith.constant 0 : i32
      %dma_wait3A_484 = arith.constant 0 : i32
      %dma_wait3A_485 = tpu.memref_slice %arg17[%dma_wait3A_483, %dma_wait3A_484] : memref<112x128xf32, #tpu.memory_space<vmem>> -> memref<104x128xf32, #tpu.memory_space<vmem>>
      %dma_wait3A_486 = arith.constant 0 : i32
      %dma_wait3A_487 = tpu.memref_slice %arg7[%add3A_472, %dma_wait3A_486] : memref<100000x128xf32, #tpu.memory_space<hbm>> -> memref<104x128xf32, #tpu.memory_space<hbm>>
      %dma_wait3A_488 = arith.constant 0 : i32
      %dma_wait3A_489 = tpu.memref_slice %arg7[%add3A_472, %dma_wait3A_488] : memref<100000x128xf32, #tpu.memory_space<hbm>> -> memref<104x128xf32, #tpu.memory_space<hbm>>
      %dma_wait3A_490 = arith.constant 0 : i32
      %dma_wait3A_491 = arith.constant 0 : i32
      %dma_wait3A_492 = tpu.memref_slice %arg17[%dma_wait3A_490, %dma_wait3A_491] : memref<112x128xf32, #tpu.memory_space<vmem>> -> memref<104x128xf32, #tpu.memory_space<vmem>>
      tpu.wait_dma2 semaphore(%arg20 : memref<!tpu.dma_semaphore, #tpu.memory_space<semaphore_mem>>) src(%dma_wait3A_492 : memref<104x128xf32, #tpu.memory_space<vmem>>) dst(%dma_wait3A_489 : memref<104x128xf32, #tpu.memory_space<hbm>>)
    } else {
    }
    %not3A = arith.constant true
    %not3A_189 = arith.xori %lt3A_1, %not3A : i1
    %convert_element_type3A_190 = arith.extui %not3A_189 : i1 to i32
    %cond3A_191 = arith.constant 0 : i32
    %cond3A_192 = arith.cmpi ne, %convert_element_type3A_190, %cond3A_191 : i32
    scf.if %cond3A_192 {
      %add3A_471 = arith.constant 3024 : i32
      %add3A_472 = arith.addi %sub3A_8, %add3A_471 : i32
      %dma_start3A_473 = arith.constant 0 : i32
      %dma_start3A_474 = arith.constant 0 : i32
      %dma_start3A_475 = tpu.memref_slice %arg17[%dma_start3A_473, %dma_start3A_474] : memref<112x128xf32, #tpu.memory_space<vmem>> -> memref<96x128xf32, #tpu.memory_space<vmem>>
      %dma_start3A_476 = arith.constant 0 : i32
      %dma_start3A_477 = tpu.memref_slice %arg7[%add3A_472, %dma_start3A_476] : memref<100000x128xf32, #tpu.memory_space<hbm>> -> memref<96x128xf32, #tpu.memory_space<hbm>>
      %dma_start3A_478 = arith.constant 0 : i32
      %dma_start3A_479 = tpu.memref_slice %arg7[%add3A_472, %dma_start3A_478] : memref<100000x128xf32, #tpu.memory_space<hbm>> -> memref<96x128xf32, #tpu.memory_space<hbm>>
      %dma_start3A_480 = arith.constant 0 : i32
      %dma_start3A_481 = arith.constant 0 : i32
      %dma_start3A_482 = tpu.memref_slice %arg17[%dma_start3A_480, %dma_start3A_481] : memref<112x128xf32, #tpu.memory_space<vmem>> -> memref<96x128xf32, #tpu.memory_space<vmem>>
      tpu.enqueue_dma source(%dma_start3A_482 : memref<96x128xf32, #tpu.memory_space<vmem>>) target(%dma_start3A_479 : memref<96x128xf32, #tpu.memory_space<hbm>>) target_semaphore(%arg20 : memref<!tpu.dma_semaphore, #tpu.memory_space<semaphore_mem>>)
      %dma_wait3A_483 = arith.constant 0 : i32
      %dma_wait3A_484 = arith.constant 0 : i32
      %dma_wait3A_485 = tpu.memref_slice %arg17[%dma_wait3A_483, %dma_wait3A_484] : memref<112x128xf32, #tpu.memory_space<vmem>> -> memref<96x128xf32, #tpu.memory_space<vmem>>
      %dma_wait3A_486 = arith.constant 0 : i32
      %dma_wait3A_487 = tpu.memref_slice %arg7[%add3A_472, %dma_wait3A_486] : memref<100000x128xf32, #tpu.memory_space<hbm>> -> memref<96x128xf32, #tpu.memory_space<hbm>>
      %dma_wait3A_488 = arith.constant 0 : i32
      %dma_wait3A_489 = tpu.memref_slice %arg7[%add3A_472, %dma_wait3A_488] : memref<100000x128xf32, #tpu.memory_space<hbm>> -> memref<96x128xf32, #tpu.memory_space<hbm>>
      %dma_wait3A_490 = arith.constant 0 : i32
      %dma_wait3A_491 = arith.constant 0 : i32
      %dma_wait3A_492 = tpu.memref_slice %arg17[%dma_wait3A_490, %dma_wait3A_491] : memref<112x128xf32, #tpu.memory_space<vmem>> -> memref<96x128xf32, #tpu.memory_space<vmem>>
      tpu.wait_dma2 semaphore(%arg20 : memref<!tpu.dma_semaphore, #tpu.memory_space<semaphore_mem>>) src(%dma_wait3A_492 : memref<96x128xf32, #tpu.memory_space<vmem>>) dst(%dma_wait3A_489 : memref<96x128xf32, #tpu.memory_space<hbm>>)
    } else {
    }
    "tpu.trace_stop"() : () -> ()
    "tpu.trace_start"() <{level = 10 : i32, message = "scan_msgs"}> : () -> ()
    %scan3A_193 = arith.constant 0 : i32
    %scan3A_194 = arith.constant 0 : i32
    %scan3A_195 = arith.constant 256 : i32
    %scan3A_196 = arith.addi %scan3A_194, %scan3A_195 : i32
    %scan3A_197 = arith.constant 1 : i32
    scf.for %scan3A_471 = %scan3A_194 to %scan3A_196 step %scan3A_197  : i32 {
      %mul3A_472 = arith.constant 64 : i32
      %mul3A_473 = arith.muli %scan3A_471, %mul3A_472 : i32
      %add3A_474 = arith.constant 0 : i32
      %add3A_475 = arith.addi %mul3A_473, %add3A_474 : i32
      %get3A_476 = arith.index_cast %add3A_475 : i32 to index
      %get3A_477 = tpu.vector_load %arg8[%get3A_476] {strides = array<i32>} : memref<16384xi32, #tpu.memory_space<vmem>>, vector<16xi32>,
      %add3A_478 = vector.broadcast %add3A_475 : i32 to vector<16xi32>
      %add3A_479 = arith.addi %iota3A, %add3A_478 : vector<16xi32>
      %sub3A_480 = vector.broadcast %sub3A_8 : i32 to vector<16xi32>
      %sub3A_481 = arith.subi %get3A_477, %sub3A_480 : vector<16xi32>
      %ge3A = arith.constant 0 : i32
      %ge3A_482 = vector.broadcast %ge3A : i32 to vector<16xi32>
      %ge3A_483 = arith.cmpi sge, %sub3A_481, %ge3A_482 : vector<16xi32>
      %lt3A_484 = vector.broadcast %select_n3A : i32 to vector<16xi32>
      %lt3A_485 = arith.cmpi slt, %sub3A_481, %lt3A_484 : vector<16xi32>
      %and3A_486 = arith.andi %ge3A_483, %lt3A_485 : vector<16xi1>
      %jit3A_487 = arith.constant 0 : i32
      %broadcast_in_dim3A_488 = vector.broadcast %jit3A_487 : i32 to vector<16xi32>
      %select_n3A_489 = arith.select %and3A_486, %sub3A_481, %broadcast_in_dim3A_488 : vector<16xi1>, vector<16xi32>
      %add3A_490 = arith.addi %mul3A_12, %select_n3A_489 : vector<16xi32>
      tpu.vector_store_idx %arg9[%add3A_490], %add3A_479 masked %and3A_486 : memref<50176xi32, #tpu.memory_space<vmem>>[vector<16xi32>], vector<16xi32>, vector<16xi1>
      %mul3A_491 = arith.constant 64 : i32
      %mul3A_492 = arith.muli %scan3A_471, %mul3A_491 : i32
      %add3A_493 = arith.constant 16 : i32
      %add3A_494 = arith.addi %mul3A_492, %add3A_493 : i32
      %get3A_495 = arith.index_cast %add3A_494 : i32 to index
      %get3A_496 = tpu.vector_load %arg8[%get3A_495] {strides = array<i32>} : memref<16384xi32, #tpu.memory_space<vmem>>, vector<16xi32>,
      %add3A_497 = vector.broadcast %add3A_494 : i32 to vector<16xi32>
      %add3A_498 = arith.addi %iota3A, %add3A_497 : vector<16xi32>
      %sub3A_499 = vector.broadcast %sub3A_8 : i32 to vector<16xi32>
      %sub3A_500 = arith.subi %get3A_496, %sub3A_499 : vector<16xi32>
      %ge3A_501 = arith.constant 0 : i32
      %ge3A_502 = vector.broadcast %ge3A_501 : i32 to vector<16xi32>
      %ge3A_503 = arith.cmpi sge, %sub3A_500, %ge3A_502 : vector<16xi32>
      %lt3A_504 = vector.broadcast %select_n3A : i32 to vector<16xi32>
      %lt3A_505 = arith.cmpi slt, %sub3A_500, %lt3A_504 : vector<16xi32>
      %and3A_506 = arith.andi %ge3A_503, %lt3A_505 : vector<16xi1>
      %jit3A_507 = arith.constant 0 : i32
      %broadcast_in_dim3A_508 = vector.broadcast %jit3A_507 : i32 to vector<16xi32>
      %select_n3A_509 = arith.select %and3A_506, %sub3A_500, %broadcast_in_dim3A_508 : vector<16xi1>, vector<16xi32>
      %add3A_510 = arith.addi %mul3A_12, %select_n3A_509 : vector<16xi32>
      tpu.vector_store_idx %arg9[%add3A_510], %add3A_498 masked %and3A_506 : memref<50176xi32, #tpu.memory_space<vmem>>[vector<16xi32>], vector<16xi32>, vector<16xi1>
      %mul3A_511 = arith.constant 64 : i32
      %mul3A_512 = arith.muli %scan3A_471, %mul3A_511 : i32
      %add3A_513 = arith.constant 32 : i32
      %add3A_514 = arith.addi %mul3A_512, %add3A_513 : i32
      %get3A_515 = arith.index_cast %add3A_514 : i32 to index
      %get3A_516 = tpu.vector_load %arg8[%get3A_515] {strides = array<i32>} : memref<16384xi32, #tpu.memory_space<vmem>>, vector<16xi32>,
      %add3A_517 = vector.broadcast %add3A_514 : i32 to vector<16xi32>
      %add3A_518 = arith.addi %iota3A, %add3A_517 : vector<16xi32>
      %sub3A_519 = vector.broadcast %sub3A_8 : i32 to vector<16xi32>
      %sub3A_520 = arith.subi %get3A_516, %sub3A_519 : vector<16xi32>
      %ge3A_521 = arith.constant 0 : i32
      %ge3A_522 = vector.broadcast %ge3A_521 : i32 to vector<16xi32>
      %ge3A_523 = arith.cmpi sge, %sub3A_520, %ge3A_522 : vector<16xi32>
      %lt3A_524 = vector.broadcast %select_n3A : i32 to vector<16xi32>
      %lt3A_525 = arith.cmpi slt, %sub3A_520, %lt3A_524 : vector<16xi32>
      %and3A_526 = arith.andi %ge3A_523, %lt3A_525 : vector<16xi1>
      %jit3A_527 = arith.constant 0 : i32
      %broadcast_in_dim3A_528 = vector.broadcast %jit3A_527 : i32 to vector<16xi32>
      %select_n3A_529 = arith.select %and3A_526, %sub3A_520, %broadcast_in_dim3A_528 : vector<16xi1>, vector<16xi32>
      %add3A_530 = arith.addi %mul3A_12, %select_n3A_529 : vector<16xi32>
      tpu.vector_store_idx %arg9[%add3A_530], %add3A_518 masked %and3A_526 : memref<50176xi32, #tpu.memory_space<vmem>>[vector<16xi32>], vector<16xi32>, vector<16xi1>
      %mul3A_531 = arith.constant 64 : i32
      %mul3A_532 = arith.muli %scan3A_471, %mul3A_531 : i32
      %add3A_533 = arith.constant 48 : i32
      %add3A_534 = arith.addi %mul3A_532, %add3A_533 : i32
      %get3A_535 = arith.index_cast %add3A_534 : i32 to index
      %get3A_536 = tpu.vector_load %arg8[%get3A_535] {strides = array<i32>} : memref<16384xi32, #tpu.memory_space<vmem>>, vector<16xi32>,
      %add3A_537 = vector.broadcast %add3A_534 : i32 to vector<16xi32>
      %add3A_538 = arith.addi %iota3A, %add3A_537 : vector<16xi32>
      %sub3A_539 = vector.broadcast %sub3A_8 : i32 to vector<16xi32>
      %sub3A_540 = arith.subi %get3A_536, %sub3A_539 : vector<16xi32>
      %ge3A_541 = arith.constant 0 : i32
      %ge3A_542 = vector.broadcast %ge3A_541 : i32 to vector<16xi32>
      %ge3A_543 = arith.cmpi sge, %sub3A_540, %ge3A_542 : vector<16xi32>
      %lt3A_544 = vector.broadcast %select_n3A : i32 to vector<16xi32>
      %lt3A_545 = arith.cmpi slt, %sub3A_540, %lt3A_544 : vector<16xi32>
      %and3A_546 = arith.andi %ge3A_543, %lt3A_545 : vector<16xi1>
      %jit3A_547 = arith.constant 0 : i32
      %broadcast_in_dim3A_548 = vector.broadcast %jit3A_547 : i32 to vector<16xi32>
      %select_n3A_549 = arith.select %and3A_546, %sub3A_540, %broadcast_in_dim3A_548 : vector<16xi1>, vector<16xi32>
      %add3A_550 = arith.addi %mul3A_12, %select_n3A_549 : vector<16xi32>
      tpu.vector_store_idx %arg9[%add3A_550], %add3A_538 masked %and3A_546 : memref<50176xi32, #tpu.memory_space<vmem>>[vector<16xi32>], vector<16xi32>, vector<16xi1>
    }
    %scan3A_198 = arith.constant 256 : i32
    "tpu.trace_stop"() : () -> ()
    "tpu.trace_start"() <{level = 10 : i32, message = "combine"}> : () -> ()
    %scan3A_199 = arith.constant 0 : i32
    %scan3A_200 = arith.constant 0 : i32
    %scan3A_201 = arith.constant 196 : i32
    %scan3A_202 = arith.addi %scan3A_200, %scan3A_201 : i32
    %scan3A_203 = arith.constant 1 : i32
    %scan3A_204 = scf.for %scan3A_471 = %scan3A_200 to %scan3A_202 step %scan3A_203 iter_args(%scan3A_472 = %scan3A_199) -> (i32)  : i32 {
      %mul3A_473 = arith.constant 16 : i32
      %mul3A_474 = arith.muli %scan3A_471, %mul3A_473 : i32
      %get3A_475 = arith.index_cast %mul3A_474 : i32 to index
      %get3A_476 = tpu.vector_load %arg9[%get3A_475] {strides = array<i32>} : memref<50176xi32, #tpu.memory_space<vmem>>, vector<16xi32>,
      %add3A_477 = arith.constant 3136 : i32
      %add3A_478 = arith.addi %add3A_477, %mul3A_474 : i32
      %get3A_479 = arith.index_cast %add3A_478 : i32 to index
      %get3A_480 = tpu.vector_load %arg9[%get3A_479] {strides = array<i32>} : memref<50176xi32, #tpu.memory_space<vmem>>, vector<16xi32>,
      %max3A_481 = arith.maxsi %get3A_476, %get3A_480 : vector<16xi32>
      %add3A_482 = arith.constant 6272 : i32
      %add3A_483 = arith.addi %add3A_482, %mul3A_474 : i32
      %get3A_484 = arith.index_cast %add3A_483 : i32 to index
      %get3A_485 = tpu.vector_load %arg9[%get3A_484] {strides = array<i32>} : memref<50176xi32, #tpu.memory_space<vmem>>, vector<16xi32>,
      %max3A_486 = arith.maxsi %max3A_481, %get3A_485 : vector<16xi32>
      %add3A_487 = arith.constant 9408 : i32
      %add3A_488 = arith.addi %add3A_487, %mul3A_474 : i32
      %get3A_489 = arith.index_cast %add3A_488 : i32 to index
      %get3A_490 = tpu.vector_load %arg9[%get3A_489] {strides = array<i32>} : memref<50176xi32, #tpu.memory_space<vmem>>, vector<16xi32>,
      %max3A_491 = arith.maxsi %max3A_486, %get3A_490 : vector<16xi32>
      %add3A_492 = arith.constant 12544 : i32
      %add3A_493 = arith.addi %add3A_492, %mul3A_474 : i32
      %get3A_494 = arith.index_cast %add3A_493 : i32 to index
      %get3A_495 = tpu.vector_load %arg9[%get3A_494] {strides = array<i32>} : memref<50176xi32, #tpu.memory_space<vmem>>, vector<16xi32>,
      %max3A_496 = arith.maxsi %max3A_491, %get3A_495 : vector<16xi32>
      %add3A_497 = arith.constant 15680 : i32
      %add3A_498 = arith.addi %add3A_497, %mul3A_474 : i32
      %get3A_499 = arith.index_cast %add3A_498 : i32 to index
      %get3A_500 = tpu.vector_load %arg9[%get3A_499] {strides = array<i32>} : memref<50176xi32, #tpu.memory_space<vmem>>, vector<16xi32>,
      %max3A_501 = arith.maxsi %max3A_496, %get3A_500 : vector<16xi32>
      %add3A_502 = arith.constant 18816 : i32
      %add3A_503 = arith.addi %add3A_502, %mul3A_474 : i32
      %get3A_504 = arith.index_cast %add3A_503 : i32 to index
      %get3A_505 = tpu.vector_load %arg9[%get3A_504] {strides = array<i32>} : memref<50176xi32, #tpu.memory_space<vmem>>, vector<16xi32>,
      %max3A_506 = arith.maxsi %max3A_501, %get3A_505 : vector<16xi32>
      %add3A_507 = arith.constant 21952 : i32
      %add3A_508 = arith.addi %add3A_507, %mul3A_474 : i32
      %get3A_509 = arith.index_cast %add3A_508 : i32 to index
      %get3A_510 = tpu.vector_load %arg9[%get3A_509] {strides = array<i32>} : memref<50176xi32, #tpu.memory_space<vmem>>, vector<16xi32>,
      %max3A_511 = arith.maxsi %max3A_506, %get3A_510 : vector<16xi32>
      %add3A_512 = arith.constant 25088 : i32
      %add3A_513 = arith.addi %add3A_512, %mul3A_474 : i32
      %get3A_514 = arith.index_cast %add3A_513 : i32 to index
      %get3A_515 = tpu.vector_load %arg9[%get3A_514] {strides = array<i32>} : memref<50176xi32, #tpu.memory_space<vmem>>, vector<16xi32>,
      %max3A_516 = arith.maxsi %max3A_511, %get3A_515 : vector<16xi32>
      %add3A_517 = arith.constant 28224 : i32
      %add3A_518 = arith.addi %add3A_517, %mul3A_474 : i32
      %get3A_519 = arith.index_cast %add3A_518 : i32 to index
      %get3A_520 = tpu.vector_load %arg9[%get3A_519] {strides = array<i32>} : memref<50176xi32, #tpu.memory_space<vmem>>, vector<16xi32>,
      %max3A_521 = arith.maxsi %max3A_516, %get3A_520 : vector<16xi32>
      %add3A_522 = arith.constant 31360 : i32
      %add3A_523 = arith.addi %add3A_522, %mul3A_474 : i32
      %get3A_524 = arith.index_cast %add3A_523 : i32 to index
      %get3A_525 = tpu.vector_load %arg9[%get3A_524] {strides = array<i32>} : memref<50176xi32, #tpu.memory_space<vmem>>, vector<16xi32>,
      %max3A_526 = arith.maxsi %max3A_521, %get3A_525 : vector<16xi32>
      %add3A_527 = arith.constant 34496 : i32
      %add3A_528 = arith.addi %add3A_527, %mul3A_474 : i32
      %get3A_529 = arith.index_cast %add3A_528 : i32 to index
      %get3A_530 = tpu.vector_load %arg9[%get3A_529] {strides = array<i32>} : memref<50176xi32, #tpu.memory_space<vmem>>, vector<16xi32>,
      %max3A_531 = arith.maxsi %max3A_526, %get3A_530 : vector<16xi32>
      %add3A_532 = arith.constant 37632 : i32
      %add3A_533 = arith.addi %add3A_532, %mul3A_474 : i32
      %get3A_534 = arith.index_cast %add3A_533 : i32 to index
      %get3A_535 = tpu.vector_load %arg9[%get3A_534] {strides = array<i32>} : memref<50176xi32, #tpu.memory_space<vmem>>, vector<16xi32>,
      %max3A_536 = arith.maxsi %max3A_531, %get3A_535 : vector<16xi32>
      %add3A_537 = arith.constant 40768 : i32
      %add3A_538 = arith.addi %add3A_537, %mul3A_474 : i32
      %get3A_539 = arith.index_cast %add3A_538 : i32 to index
      %get3A_540 = tpu.vector_load %arg9[%get3A_539] {strides = array<i32>} : memref<50176xi32, #tpu.memory_space<vmem>>, vector<16xi32>,
      %max3A_541 = arith.maxsi %max3A_536, %get3A_540 : vector<16xi32>
      %add3A_542 = arith.constant 43904 : i32
      %add3A_543 = arith.addi %add3A_542, %mul3A_474 : i32
      %get3A_544 = arith.index_cast %add3A_543 : i32 to index
      %get3A_545 = tpu.vector_load %arg9[%get3A_544] {strides = array<i32>} : memref<50176xi32, #tpu.memory_space<vmem>>, vector<16xi32>,
      %max3A_546 = arith.maxsi %max3A_541, %get3A_545 : vector<16xi32>
      %add3A_547 = arith.constant 47040 : i32
      %add3A_548 = arith.addi %add3A_547, %mul3A_474 : i32
      %get3A_549 = arith.index_cast %add3A_548 : i32 to index
      %get3A_550 = tpu.vector_load %arg9[%get3A_549] {strides = array<i32>} : memref<50176xi32, #tpu.memory_space<vmem>>, vector<16xi32>,
      %max3A_551 = arith.maxsi %max3A_546, %get3A_550 : vector<16xi32>
      %ge3A = arith.constant 0 : i32
      %ge3A_552 = vector.broadcast %ge3A : i32 to vector<16xi32>
      %ge3A_553 = arith.cmpi sge, %max3A_551, %ge3A_552 : vector<16xi32>
      %jit3A_554 = arith.constant 1 : i32
      %jit3A_555 = arith.constant 0 : i32
      %broadcast_in_dim3A_556 = vector.broadcast %jit3A_554 : i32 to vector<16xi32>
      %broadcast_in_dim3A_557 = vector.broadcast %jit3A_555 : i32 to vector<16xi32>
      %select_n3A_558 = arith.select %ge3A_553, %broadcast_in_dim3A_556, %broadcast_in_dim3A_557 : vector<16xi1>, vector<16xi32>
      %swap3A_559 = arith.index_cast %mul3A_474 : i32 to index
      %swap3A_560 = tpu.vector_load %arg10[%swap3A_559] {strides = array<i32>} : memref<3136xi32, #tpu.memory_space<vmem>>, vector<16xi32>,
      tpu.vector_store %arg10[%swap3A_559], %select_n3A_558 {strides = array<i32>} : memref<3136xi32, #tpu.memory_space<vmem>>, vector<16xi32>,
      %jit3A_561 = arith.constant 16384 : i32
      %broadcast_in_dim3A_562 = vector.broadcast %jit3A_561 : i32 to vector<16xi32>
      %select_n3A_563 = arith.select %ge3A_553, %max3A_551, %broadcast_in_dim3A_562 : vector<16xi1>, vector<16xi32>
      %gather3A = tpu.vector_load_idx %arg11[%select_n3A_563] : memref<16392xf32, #tpu.memory_space<vmem>>[vector<16xi32>], vector<16xf32>,
      %swap3A_564 = arith.index_cast %mul3A_474 : i32 to index
      %swap3A_565 = tpu.vector_load %arg12[%swap3A_564] {strides = array<i32>} : memref<3136xf32, #tpu.memory_space<vmem>>, vector<16xf32>,
      tpu.vector_store %arg12[%swap3A_564], %gather3A {strides = array<i32>} : memref<3136xf32, #tpu.memory_space<vmem>>, vector<16xf32>,
      %swap3A_566 = arith.index_cast %scan3A_472 : i32 to index
      %swap3A_567 = tpu.vector_load %arg13[%swap3A_566] masked %ge3A_553 {strides = array<i32>} : memref<3152xi32, #tpu.memory_space<vmem>>, vector<16xi32>, vector<16xi1>
      tpu.vector_store %arg13[%swap3A_566], %max3A_551 masked %ge3A_553 {strides = array<i32>} : memref<3152xi32, #tpu.memory_space<vmem>>, vector<16xi32>, vector<16xi1>
      %add3A_568 = arith.addi %sub3A_8, %mul3A_474 : i32
      %add3A_569 = vector.broadcast %add3A_568 : i32 to vector<16xi32>
      %add3A_570 = arith.addi %add3A_569, %iota3A : vector<16xi32>
      %swap3A_571 = arith.index_cast %scan3A_472 : i32 to index
      %swap3A_572 = tpu.vector_load %arg14[%swap3A_571] masked %ge3A_553 {strides = array<i32>} : memref<3152xi32, #tpu.memory_space<vmem>>, vector<16xi32>, vector<16xi1>
      tpu.vector_store %arg14[%swap3A_571], %add3A_570 masked %ge3A_553 {strides = array<i32>} : memref<3152xi32, #tpu.memory_space<vmem>>, vector<16xi32>, vector<16xi1>
      %all_reduce_population_count3A = tpu.all_reduce %ge3A_553 {dim = 0 : i64, kind = #tpu.reduction_kind<sum>} : vector<16xi1> -> vector<16xi32>
      %slice3A_573 = vector.extract_strided_slice %all_reduce_population_count3A {offsets = [0], sizes = [1], strides = [1]} : vector<16xi32> to vector<1xi32>
      %squeeze3A_574 = vector.extract %slice3A_573[0] : i32 from vector<1xi32>
      %add3A_575 = arith.addi %scan3A_472, %squeeze3A_574 : i32
      scf.yield %add3A_575 : i32
    }
    %scan3A_205 = arith.constant 196 : i32
    %convert_element_type3A_206 = arith.extui %lt3A_1 : i1 to i32
    %cond3A_207 = arith.constant 0 : i32
    %cond3A_208 = arith.cmpi ne, %convert_element_type3A_206, %cond3A_207 : i32
    scf.if %cond3A_208 {
      "tpu.region"() ({
        %run_scoped3A = tpu.sem_alloc : memref<!tpu.dma_semaphore, #tpu.memory_space<semaphore_mem>>
        %dma_start3A_471 = arith.constant 0 : i32
        %dma_start3A_472 = tpu.memref_slice %arg10[%dma_start3A_471] : memref<3136xi32, #tpu.memory_space<vmem>> -> memref<3128xi32, #tpu.memory_space<vmem>>
        %dma_start3A_473 = tpu.memref_slice %arg5[%sub3A_8] : memref<100000xi32, #tpu.memory_space<hbm>> -> memref<3128xi32, #tpu.memory_space<hbm>>
        %dma_start3A_474 = tpu.memref_slice %arg5[%sub3A_8] : memref<100000xi32, #tpu.memory_space<hbm>> -> memref<3128xi32, #tpu.memory_space<hbm>>
        %dma_start3A_475 = arith.constant 0 : i32
        %dma_start3A_476 = tpu.memref_slice %arg10[%dma_start3A_475] : memref<3136xi32, #tpu.memory_space<vmem>> -> memref<3128xi32, #tpu.memory_space<vmem>>
        tpu.enqueue_dma source(%dma_start3A_476 : memref<3128xi32, #tpu.memory_space<vmem>>) target(%dma_start3A_474 : memref<3128xi32, #tpu.memory_space<hbm>>) target_semaphore(%run_scoped3A : memref<!tpu.dma_semaphore, #tpu.memory_space<semaphore_mem>>)
        %dma_wait3A_477 = arith.constant 0 : i32
        %dma_wait3A_478 = tpu.memref_slice %arg10[%dma_wait3A_477] : memref<3136xi32, #tpu.memory_space<vmem>> -> memref<3128xi32, #tpu.memory_space<vmem>>
        %dma_wait3A_479 = tpu.memref_slice %arg5[%sub3A_8] : memref<100000xi32, #tpu.memory_space<hbm>> -> memref<3128xi32, #tpu.memory_space<hbm>>
        %dma_wait3A_480 = tpu.memref_slice %arg5[%sub3A_8] : memref<100000xi32, #tpu.memory_space<hbm>> -> memref<3128xi32, #tpu.memory_space<hbm>>
        %dma_wait3A_481 = arith.constant 0 : i32
        %dma_wait3A_482 = tpu.memref_slice %arg10[%dma_wait3A_481] : memref<3136xi32, #tpu.memory_space<vmem>> -> memref<3128xi32, #tpu.memory_space<vmem>>
        tpu.wait_dma2 semaphore(%run_scoped3A : memref<!tpu.dma_semaphore, #tpu.memory_space<semaphore_mem>>) src(%dma_wait3A_482 : memref<3128xi32, #tpu.memory_space<vmem>>) dst(%dma_wait3A_480 : memref<3128xi32, #tpu.memory_space<hbm>>)
        tpu.yield
      }) : () -> ()
      "tpu.region"() ({
        %run_scoped3A = tpu.sem_alloc : memref<!tpu.dma_semaphore, #tpu.memory_space<semaphore_mem>>
        %dma_start3A_471 = arith.constant 0 : i32
        %dma_start3A_472 = tpu.memref_slice %arg12[%dma_start3A_471] : memref<3136xf32, #tpu.memory_space<vmem>> -> memref<3128xf32, #tpu.memory_space<vmem>>
        %dma_start3A_473 = tpu.memref_slice %arg6[%sub3A_8] : memref<100000xf32, #tpu.memory_space<hbm>> -> memref<3128xf32, #tpu.memory_space<hbm>>
        %dma_start3A_474 = tpu.memref_slice %arg6[%sub3A_8] : memref<100000xf32, #tpu.memory_space<hbm>> -> memref<3128xf32, #tpu.memory_space<hbm>>
        %dma_start3A_475 = arith.constant 0 : i32
        %dma_start3A_476 = tpu.memref_slice %arg12[%dma_start3A_475] : memref<3136xf32, #tpu.memory_space<vmem>> -> memref<3128xf32, #tpu.memory_space<vmem>>
        tpu.enqueue_dma source(%dma_start3A_476 : memref<3128xf32, #tpu.memory_space<vmem>>) target(%dma_start3A_474 : memref<3128xf32, #tpu.memory_space<hbm>>) target_semaphore(%run_scoped3A : memref<!tpu.dma_semaphore, #tpu.memory_space<semaphore_mem>>)
        %dma_wait3A_477 = arith.constant 0 : i32
        %dma_wait3A_478 = tpu.memref_slice %arg12[%dma_wait3A_477] : memref<3136xf32, #tpu.memory_space<vmem>> -> memref<3128xf32, #tpu.memory_space<vmem>>
        %dma_wait3A_479 = tpu.memref_slice %arg6[%sub3A_8] : memref<100000xf32, #tpu.memory_space<hbm>> -> memref<3128xf32, #tpu.memory_space<hbm>>
        %dma_wait3A_480 = tpu.memref_slice %arg6[%sub3A_8] : memref<100000xf32, #tpu.memory_space<hbm>> -> memref<3128xf32, #tpu.memory_space<hbm>>
        %dma_wait3A_481 = arith.constant 0 : i32
        %dma_wait3A_482 = tpu.memref_slice %arg12[%dma_wait3A_481] : memref<3136xf32, #tpu.memory_space<vmem>> -> memref<3128xf32, #tpu.memory_space<vmem>>
        tpu.wait_dma2 semaphore(%run_scoped3A : memref<!tpu.dma_semaphore, #tpu.memory_space<semaphore_mem>>) src(%dma_wait3A_482 : memref<3128xf32, #tpu.memory_space<vmem>>) dst(%dma_wait3A_480 : memref<3128xf32, #tpu.memory_space<hbm>>)
        tpu.yield
      }) : () -> ()
    } else {
    }
    %not3A_209 = arith.constant true
    %not3A_210 = arith.xori %lt3A_1, %not3A_209 : i1
    %convert_element_type3A_211 = arith.extui %not3A_210 : i1 to i32
    %cond3A_212 = arith.constant 0 : i32
    %cond3A_213 = arith.cmpi ne, %convert_element_type3A_211, %cond3A_212 : i32
    scf.if %cond3A_213 {
      "tpu.region"() ({
        %run_scoped3A = tpu.sem_alloc : memref<!tpu.dma_semaphore, #tpu.memory_space<semaphore_mem>>
        %dma_start3A_471 = arith.constant 0 : i32
        %dma_start3A_472 = tpu.memref_slice %arg10[%dma_start3A_471] : memref<3136xi32, #tpu.memory_space<vmem>> -> memref<3120xi32, #tpu.memory_space<vmem>>
        %dma_start3A_473 = tpu.memref_slice %arg5[%sub3A_8] : memref<100000xi32, #tpu.memory_space<hbm>> -> memref<3120xi32, #tpu.memory_space<hbm>>
        %dma_start3A_474 = tpu.memref_slice %arg5[%sub3A_8] : memref<100000xi32, #tpu.memory_space<hbm>> -> memref<3120xi32, #tpu.memory_space<hbm>>
        %dma_start3A_475 = arith.constant 0 : i32
        %dma_start3A_476 = tpu.memref_slice %arg10[%dma_start3A_475] : memref<3136xi32, #tpu.memory_space<vmem>> -> memref<3120xi32, #tpu.memory_space<vmem>>
        tpu.enqueue_dma source(%dma_start3A_476 : memref<3120xi32, #tpu.memory_space<vmem>>) target(%dma_start3A_474 : memref<3120xi32, #tpu.memory_space<hbm>>) target_semaphore(%run_scoped3A : memref<!tpu.dma_semaphore, #tpu.memory_space<semaphore_mem>>)
        %dma_wait3A_477 = arith.constant 0 : i32
        %dma_wait3A_478 = tpu.memref_slice %arg10[%dma_wait3A_477] : memref<3136xi32, #tpu.memory_space<vmem>> -> memref<3120xi32, #tpu.memory_space<vmem>>
        %dma_wait3A_479 = tpu.memref_slice %arg5[%sub3A_8] : memref<100000xi32, #tpu.memory_space<hbm>> -> memref<3120xi32, #tpu.memory_space<hbm>>
        %dma_wait3A_480 = tpu.memref_slice %arg5[%sub3A_8] : memref<100000xi32, #tpu.memory_space<hbm>> -> memref<3120xi32, #tpu.memory_space<hbm>>
        %dma_wait3A_481 = arith.constant 0 : i32
        %dma_wait3A_482 = tpu.memref_slice %arg10[%dma_wait3A_481] : memref<3136xi32, #tpu.memory_space<vmem>> -> memref<3120xi32, #tpu.memory_space<vmem>>
        tpu.wait_dma2 semaphore(%run_scoped3A : memref<!tpu.dma_semaphore, #tpu.memory_space<semaphore_mem>>) src(%dma_wait3A_482 : memref<3120xi32, #tpu.memory_space<vmem>>) dst(%dma_wait3A_480 : memref<3120xi32, #tpu.memory_space<hbm>>)
        tpu.yield
      }) : () -> ()
      "tpu.region"() ({
        %run_scoped3A = tpu.sem_alloc : memref<!tpu.dma_semaphore, #tpu.memory_space<semaphore_mem>>
        %dma_start3A_471 = arith.constant 0 : i32
        %dma_start3A_472 = tpu.memref_slice %arg12[%dma_start3A_471] : memref<3136xf32, #tpu.memory_space<vmem>> -> memref<3120xf32, #tpu.memory_space<vmem>>
        %dma_start3A_473 = tpu.memref_slice %arg6[%sub3A_8] : memref<100000xf32, #tpu.memory_space<hbm>> -> memref<3120xf32, #tpu.memory_space<hbm>>
        %dma_start3A_474 = tpu.memref_slice %arg6[%sub3A_8] : memref<100000xf32, #tpu.memory_space<hbm>> -> memref<3120xf32, #tpu.memory_space<hbm>>
        %dma_start3A_475 = arith.constant 0 : i32
        %dma_start3A_476 = tpu.memref_slice %arg12[%dma_start3A_475] : memref<3136xf32, #tpu.memory_space<vmem>> -> memref<3120xf32, #tpu.memory_space<vmem>>
        tpu.enqueue_dma source(%dma_start3A_476 : memref<3120xf32, #tpu.memory_space<vmem>>) target(%dma_start3A_474 : memref<3120xf32, #tpu.memory_space<hbm>>) target_semaphore(%run_scoped3A : memref<!tpu.dma_semaphore, #tpu.memory_space<semaphore_mem>>)
        %dma_wait3A_477 = arith.constant 0 : i32
        %dma_wait3A_478 = tpu.memref_slice %arg12[%dma_wait3A_477] : memref<3136xf32, #tpu.memory_space<vmem>> -> memref<3120xf32, #tpu.memory_space<vmem>>
        %dma_wait3A_479 = tpu.memref_slice %arg6[%sub3A_8] : memref<100000xf32, #tpu.memory_space<hbm>> -> memref<3120xf32, #tpu.memory_space<hbm>>
        %dma_wait3A_480 = tpu.memref_slice %arg6[%sub3A_8] : memref<100000xf32, #tpu.memory_space<hbm>> -> memref<3120xf32, #tpu.memory_space<hbm>>
        %dma_wait3A_481 = arith.constant 0 : i32
        %dma_wait3A_482 = tpu.memref_slice %arg12[%dma_wait3A_481] : memref<3136xf32, #tpu.memory_space<vmem>> -> memref<3120xf32, #tpu.memory_space<vmem>>
        tpu.wait_dma2 semaphore(%run_scoped3A : memref<!tpu.dma_semaphore, #tpu.memory_space<semaphore_mem>>) src(%dma_wait3A_482 : memref<3120xf32, #tpu.memory_space<vmem>>) dst(%dma_wait3A_480 : memref<3120xf32, #tpu.memory_space<hbm>>)
        tpu.yield
      }) : () -> ()
    } else {
    }
    "tpu.trace_stop"() : () -> ()
    "tpu.trace_start"() <{level = 10 : i32, message = "pad_pack"}> : () -> ()
    %add3A_214 = arith.constant 111 : i32
    %add3A_215 = arith.addi %scan3A_204, %add3A_214 : i32
    %jit3A_216 = arith.constant 112 : i32
    %div3A = arith.divsi %add3A_215, %jit3A_216 : i32
    %sign3A = arith.constant 0 : i32
    %sign3A_217 = arith.cmpi sgt, %add3A_215, %sign3A : i32
    %sign3A_218 = arith.extui %sign3A_217 : i1 to i32
    %sign3A_219 = arith.constant 0 : i32
    %sign3A_220 = arith.cmpi slt, %add3A_215, %sign3A_219 : i32
    %sign3A_221 = arith.extui %sign3A_220 : i1 to i32
    %sign3A_222 = arith.subi %sign3A_218, %sign3A_221 : i32
    %sign3A_223 = arith.constant 0 : i32
    %sign3A_224 = arith.cmpi sgt, %jit3A_216, %sign3A_223 : i32
    %sign3A_225 = arith.extui %sign3A_224 : i1 to i32
    %sign3A_226 = arith.constant 0 : i32
    %sign3A_227 = arith.cmpi slt, %jit3A_216, %sign3A_226 : i32
    %sign3A_228 = arith.extui %sign3A_227 : i1 to i32
    %sign3A_229 = arith.subi %sign3A_225, %sign3A_228 : i32
    %ne3A = arith.cmpi ne, %sign3A_222, %sign3A_229 : i32
    %rem3A = arith.remsi %add3A_215, %jit3A_216 : i32
    %ne3A_230 = arith.constant 0 : i32
    %ne3A_231 = arith.cmpi ne, %rem3A, %ne3A_230 : i32
    %and3A = arith.andi %ne3A, %ne3A_231 : i1
    %sub3A_232 = arith.constant 1 : i32
    %sub3A_233 = arith.subi %div3A, %sub3A_232 : i32
    %select_n3A_234 = arith.select %and3A, %sub3A_233, %div3A : i32
    %mul3A_235 = arith.constant 112 : i32
    %mul3A_236 = arith.muli %select_n3A_234, %mul3A_235 : i32
    %get3A = arith.constant 0 : index
    %get3A_237 = tpu.vector_load %arg13[%get3A] {strides = array<i32>} : memref<3152xi32, #tpu.memory_space<vmem>>, vector<16xi32>,
    %slice3A = vector.extract_strided_slice %get3A_237 {offsets = [0], sizes = [1], strides = [1]} : vector<16xi32> to vector<1xi32>
    %squeeze3A = vector.extract %slice3A[0] : i32 from vector<1xi32>
    %broadcast_in_dim3A_238 = vector.broadcast %squeeze3A : i32 to vector<16xi32>
    %get3A_239 = arith.constant 0 : index
    %get3A_240 = tpu.vector_load %arg14[%get3A_239] {strides = array<i32>} : memref<3152xi32, #tpu.memory_space<vmem>>, vector<16xi32>,
    %slice3A_241 = vector.extract_strided_slice %get3A_240 {offsets = [0], sizes = [1], strides = [1]} : vector<16xi32> to vector<1xi32>
    %squeeze3A_242 = vector.extract %slice3A_241[0] : i32 from vector<1xi32>
    %broadcast_in_dim3A_243 = vector.broadcast %squeeze3A_242 : i32 to vector<16xi32>
    %jit3A_244 = arith.constant 16 : i32
    %div3A_245 = arith.divsi %scan3A_204, %jit3A_244 : i32
    %sign3A_246 = arith.constant 0 : i32
    %sign3A_247 = arith.cmpi sgt, %scan3A_204, %sign3A_246 : i32
    %sign3A_248 = arith.extui %sign3A_247 : i1 to i32
    %sign3A_249 = arith.constant 0 : i32
    %sign3A_250 = arith.cmpi slt, %scan3A_204, %sign3A_249 : i32
    %sign3A_251 = arith.extui %sign3A_250 : i1 to i32
    %sign3A_252 = arith.subi %sign3A_248, %sign3A_251 : i32
    %sign3A_253 = arith.constant 0 : i32
    %sign3A_254 = arith.cmpi sgt, %jit3A_244, %sign3A_253 : i32
    %sign3A_255 = arith.extui %sign3A_254 : i1 to i32
    %sign3A_256 = arith.constant 0 : i32
    %sign3A_257 = arith.cmpi slt, %jit3A_244, %sign3A_256 : i32
    %sign3A_258 = arith.extui %sign3A_257 : i1 to i32
    %sign3A_259 = arith.subi %sign3A_255, %sign3A_258 : i32
    %ne3A_260 = arith.cmpi ne, %sign3A_252, %sign3A_259 : i32
    %rem3A_261 = arith.remsi %scan3A_204, %jit3A_244 : i32
    %ne3A_262 = arith.constant 0 : i32
    %ne3A_263 = arith.cmpi ne, %rem3A_261, %ne3A_262 : i32
    %and3A_264 = arith.andi %ne3A_260, %ne3A_263 : i1
    %sub3A_265 = arith.constant 1 : i32
    %sub3A_266 = arith.subi %div3A_245, %sub3A_265 : i32
    %select_n3A_267 = arith.select %and3A_264, %sub3A_266, %div3A_245 : i32
    %mul3A_268 = arith.constant 16 : i32
    %mul3A_269 = arith.muli %select_n3A_267, %mul3A_268 : i32
    %sub3A_270 = arith.subi %scan3A_204, %mul3A_269 : i32
    %lt3A_271 = vector.broadcast %sub3A_270 : i32 to vector<16xi32>
    %lt3A_272 = arith.cmpi slt, %iota3A, %lt3A_271 : vector<16xi32>
    %get3A_273 = arith.index_cast %mul3A_269 : i32 to index
    %get3A_274 = tpu.vector_load %arg13[%get3A_273] {strides = array<i32>} : memref<3152xi32, #tpu.memory_space<vmem>>, vector<16xi32>,
    %select_n3A_275 = arith.select %lt3A_272, %get3A_274, %broadcast_in_dim3A_238 : vector<16xi1>, vector<16xi32>
    %swap3A = arith.index_cast %mul3A_269 : i32 to index
    %swap3A_276 = tpu.vector_load %arg13[%swap3A] {strides = array<i32>} : memref<3152xi32, #tpu.memory_space<vmem>>, vector<16xi32>,
    tpu.vector_store %arg13[%swap3A], %select_n3A_275 {strides = array<i32>} : memref<3152xi32, #tpu.memory_space<vmem>>, vector<16xi32>,
    %get3A_277 = arith.index_cast %mul3A_269 : i32 to index
    %get3A_278 = tpu.vector_load %arg14[%get3A_277] {strides = array<i32>} : memref<3152xi32, #tpu.memory_space<vmem>>, vector<16xi32>,
    %select_n3A_279 = arith.select %lt3A_272, %get3A_278, %broadcast_in_dim3A_243 : vector<16xi1>, vector<16xi32>
    %swap3A_280 = arith.index_cast %mul3A_269 : i32 to index
    %swap3A_281 = tpu.vector_load %arg14[%swap3A_280] {strides = array<i32>} : memref<3152xi32, #tpu.memory_space<vmem>>, vector<16xi32>,
    tpu.vector_store %arg14[%swap3A_280], %select_n3A_279 {strides = array<i32>} : memref<3152xi32, #tpu.memory_space<vmem>>, vector<16xi32>,
    %jit3A_282 = arith.constant 16 : i32
    %div3A_283 = arith.divsi %mul3A_269, %jit3A_282 : i32
    %sign3A_284 = arith.constant 0 : i32
    %sign3A_285 = arith.cmpi sgt, %mul3A_269, %sign3A_284 : i32
    %sign3A_286 = arith.extui %sign3A_285 : i1 to i32
    %sign3A_287 = arith.constant 0 : i32
    %sign3A_288 = arith.cmpi slt, %mul3A_269, %sign3A_287 : i32
    %sign3A_289 = arith.extui %sign3A_288 : i1 to i32
    %sign3A_290 = arith.subi %sign3A_286, %sign3A_289 : i32
    %sign3A_291 = arith.constant 0 : i32
    %sign3A_292 = arith.cmpi sgt, %jit3A_282, %sign3A_291 : i32
    %sign3A_293 = arith.extui %sign3A_292 : i1 to i32
    %sign3A_294 = arith.constant 0 : i32
    %sign3A_295 = arith.cmpi slt, %jit3A_282, %sign3A_294 : i32
    %sign3A_296 = arith.extui %sign3A_295 : i1 to i32
    %sign3A_297 = arith.subi %sign3A_293, %sign3A_296 : i32
    %ne3A_298 = arith.cmpi ne, %sign3A_290, %sign3A_297 : i32
    %rem3A_299 = arith.remsi %mul3A_269, %jit3A_282 : i32
    %ne3A_300 = arith.constant 0 : i32
    %ne3A_301 = arith.cmpi ne, %rem3A_299, %ne3A_300 : i32
    %and3A_302 = arith.andi %ne3A_298, %ne3A_301 : i1
    %sub3A_303 = arith.constant 1 : i32
    %sub3A_304 = arith.subi %div3A_283, %sub3A_303 : i32
    %select_n3A_305 = arith.select %and3A_302, %sub3A_304, %div3A_283 : i32
    %add3A_306 = arith.constant 1 : i32
    %add3A_307 = arith.addi %select_n3A_305, %add3A_306 : i32
    %mul3A_308 = arith.constant 7 : i32
    %mul3A_309 = arith.muli %select_n3A_234, %mul3A_308 : i32
    %while3A = arith.constant 0 : i32
    %while3A_310 = arith.subi %mul3A_309, %add3A_307 : i32
    %while3A_311 = arith.addi %add3A_307, %while3A_310 : i32
    %while3A_312 = arith.constant 1 : i32
    %while3A_313 = arith.divsi %while3A_310, %while3A_312 : i32
    %while3A_314 = arith.muli %while3A_313, %while3A_312 : i32
    %while3A_315 = arith.addi %add3A_307, %while3A_314 : i32
    %while3A_316 = arith.constant 1 : i32
    scf.for %while3A_471 = %add3A_307 to %while3A_315 step %while3A_316  : i32 {
      %mul3A_472 = arith.constant 16 : i32
      %mul3A_473 = arith.muli %while3A_471, %mul3A_472 : i32
      %swap3A_474 = arith.index_cast %mul3A_473 : i32 to index
      %swap3A_475 = tpu.vector_load %arg13[%swap3A_474] {strides = array<i32>} : memref<3152xi32, #tpu.memory_space<vmem>>, vector<16xi32>,
      tpu.vector_store %arg13[%swap3A_474], %broadcast_in_dim3A_238 {strides = array<i32>} : memref<3152xi32, #tpu.memory_space<vmem>>, vector<16xi32>,
      %mul3A_476 = arith.constant 16 : i32
      %mul3A_477 = arith.muli %while3A_471, %mul3A_476 : i32
      %swap3A_478 = arith.index_cast %mul3A_477 : i32 to index
      %swap3A_479 = tpu.vector_load %arg14[%swap3A_478] {strides = array<i32>} : memref<3152xi32, #tpu.memory_space<vmem>>, vector<16xi32>,
      tpu.vector_store %arg14[%swap3A_478], %broadcast_in_dim3A_243 {strides = array<i32>} : memref<3152xi32, #tpu.memory_space<vmem>>, vector<16xi32>,
    }
    %while3A_317 = arith.constant 1 : i32
    scf.for %while3A_471 = %while3A_315 to %while3A_311 step %while3A_317  : i32 {
      %mul3A_472 = arith.constant 16 : i32
      %mul3A_473 = arith.muli %while3A_471, %mul3A_472 : i32
      %swap3A_474 = arith.index_cast %mul3A_473 : i32 to index
      %swap3A_475 = tpu.vector_load %arg13[%swap3A_474] {strides = array<i32>} : memref<3152xi32, #tpu.memory_space<vmem>>, vector<16xi32>,
      tpu.vector_store %arg13[%swap3A_474], %broadcast_in_dim3A_238 {strides = array<i32>} : memref<3152xi32, #tpu.memory_space<vmem>>, vector<16xi32>,
      %mul3A_476 = arith.constant 16 : i32
      %mul3A_477 = arith.muli %while3A_471, %mul3A_476 : i32
      %swap3A_478 = arith.index_cast %mul3A_477 : i32 to index
      %swap3A_479 = tpu.vector_load %arg14[%swap3A_478] {strides = array<i32>} : memref<3152xi32, #tpu.memory_space<vmem>>, vector<16xi32>,
      tpu.vector_store %arg14[%swap3A_478], %broadcast_in_dim3A_243 {strides = array<i32>} : memref<3152xi32, #tpu.memory_space<vmem>>, vector<16xi32>,
    }
    %while3A_318 = arith.constant 0 : i32
    %while3A_319 = arith.constant 0 : i32
    %while3A_320 = arith.subi %select_n3A_234, %while3A_319 : i32
    %while3A_321 = arith.addi %while3A_319, %while3A_320 : i32
    %while3A_322 = arith.constant 1 : i32
    %while3A_323 = arith.divsi %while3A_320, %while3A_322 : i32
    %while3A_324 = arith.muli %while3A_323, %while3A_322 : i32
    %while3A_325 = arith.addi %while3A_319, %while3A_324 : i32
    %while3A_326 = arith.constant 1 : i32
    scf.for %while3A_471 = %while3A_319 to %while3A_325 step %while3A_326  : i32 {
      %mul3A_472 = arith.constant 112 : i32
      %mul3A_473 = arith.muli %while3A_471, %mul3A_472 : i32
      %add3A_474 = arith.constant 0 : i32
      %add3A_475 = arith.addi %mul3A_473, %add3A_474 : i32
      %get3A_476 = arith.index_cast %add3A_475 : i32 to index
      %get3A_477 = tpu.vector_load %arg14[%get3A_476] {strides = array<i32>} : memref<3152xi32, #tpu.memory_space<vmem>>, vector<16xi32>,
      %swap3A_478 = arith.index_cast %while3A_471 : i32 to index
      %swap3A_479 = arith.constant 0 : index
      %swap3A_480 = tpu.vector_load %arg15[%swap3A_478, %swap3A_479] {strides = array<i32>} : memref<28x112xi32, #tpu.memory_space<vmem>>, vector<16xi32>,
      tpu.vector_store %arg15[%swap3A_478, %swap3A_479], %get3A_477 {strides = array<i32>} : memref<28x112xi32, #tpu.memory_space<vmem>>, vector<16xi32>,
      %mul3A_481 = arith.constant 112 : i32
      %mul3A_482 = arith.muli %while3A_471, %mul3A_481 : i32
      %add3A_483 = arith.constant 16 : i32
      %add3A_484 = arith.addi %mul3A_482, %add3A_483 : i32
      %get3A_485 = arith.index_cast %add3A_484 : i32 to index
      %get3A_486 = tpu.vector_load %arg14[%get3A_485] {strides = array<i32>} : memref<3152xi32, #tpu.memory_space<vmem>>, vector<16xi32>,
      %swap3A_487 = arith.index_cast %while3A_471 : i32 to index
      %swap3A_488 = arith.constant 16 : index
      %swap3A_489 = tpu.vector_load %arg15[%swap3A_487, %swap3A_488] {strides = array<i32>} : memref<28x112xi32, #tpu.memory_space<vmem>>, vector<16xi32>,
      tpu.vector_store %arg15[%swap3A_487, %swap3A_488], %get3A_486 {strides = array<i32>} : memref<28x112xi32, #tpu.memory_space<vmem>>, vector<16xi32>,
      %mul3A_490 = arith.constant 112 : i32
      %mul3A_491 = arith.muli %while3A_471, %mul3A_490 : i32
      %add3A_492 = arith.constant 32 : i32
      %add3A_493 = arith.addi %mul3A_491, %add3A_492 : i32
      %get3A_494 = arith.index_cast %add3A_493 : i32 to index
      %get3A_495 = tpu.vector_load %arg14[%get3A_494] {strides = array<i32>} : memref<3152xi32, #tpu.memory_space<vmem>>, vector<16xi32>,
      %swap3A_496 = arith.index_cast %while3A_471 : i32 to index
      %swap3A_497 = arith.constant 32 : index
      %swap3A_498 = tpu.vector_load %arg15[%swap3A_496, %swap3A_497] {strides = array<i32>} : memref<28x112xi32, #tpu.memory_space<vmem>>, vector<16xi32>,
      tpu.vector_store %arg15[%swap3A_496, %swap3A_497], %get3A_495 {strides = array<i32>} : memref<28x112xi32, #tpu.memory_space<vmem>>, vector<16xi32>,
      %mul3A_499 = arith.constant 112 : i32
      %mul3A_500 = arith.muli %while3A_471, %mul3A_499 : i32
      %add3A_501 = arith.constant 48 : i32
      %add3A_502 = arith.addi %mul3A_500, %add3A_501 : i32
      %get3A_503 = arith.index_cast %add3A_502 : i32 to index
      %get3A_504 = tpu.vector_load %arg14[%get3A_503] {strides = array<i32>} : memref<3152xi32, #tpu.memory_space<vmem>>, vector<16xi32>,
      %swap3A_505 = arith.index_cast %while3A_471 : i32 to index
      %swap3A_506 = arith.constant 48 : index
      %swap3A_507 = tpu.vector_load %arg15[%swap3A_505, %swap3A_506] {strides = array<i32>} : memref<28x112xi32, #tpu.memory_space<vmem>>, vector<16xi32>,
      tpu.vector_store %arg15[%swap3A_505, %swap3A_506], %get3A_504 {strides = array<i32>} : memref<28x112xi32, #tpu.memory_space<vmem>>, vector<16xi32>,
      %mul3A_508 = arith.constant 112 : i32
      %mul3A_509 = arith.muli %while3A_471, %mul3A_508 : i32
      %add3A_510 = arith.constant 64 : i32
      %add3A_511 = arith.addi %mul3A_509, %add3A_510 : i32
      %get3A_512 = arith.index_cast %add3A_511 : i32 to index
      %get3A_513 = tpu.vector_load %arg14[%get3A_512] {strides = array<i32>} : memref<3152xi32, #tpu.memory_space<vmem>>, vector<16xi32>,
      %swap3A_514 = arith.index_cast %while3A_471 : i32 to index
      %swap3A_515 = arith.constant 64 : index
      %swap3A_516 = tpu.vector_load %arg15[%swap3A_514, %swap3A_515] {strides = array<i32>} : memref<28x112xi32, #tpu.memory_space<vmem>>, vector<16xi32>,
      tpu.vector_store %arg15[%swap3A_514, %swap3A_515], %get3A_513 {strides = array<i32>} : memref<28x112xi32, #tpu.memory_space<vmem>>, vector<16xi32>,
      %mul3A_517 = arith.constant 112 : i32
      %mul3A_518 = arith.muli %while3A_471, %mul3A_517 : i32
      %add3A_519 = arith.constant 80 : i32
      %add3A_520 = arith.addi %mul3A_518, %add3A_519 : i32
      %get3A_521 = arith.index_cast %add3A_520 : i32 to index
      %get3A_522 = tpu.vector_load %arg14[%get3A_521] {strides = array<i32>} : memref<3152xi32, #tpu.memory_space<vmem>>, vector<16xi32>,
      %swap3A_523 = arith.index_cast %while3A_471 : i32 to index
      %swap3A_524 = arith.constant 80 : index
      %swap3A_525 = tpu.vector_load %arg15[%swap3A_523, %swap3A_524] {strides = array<i32>} : memref<28x112xi32, #tpu.memory_space<vmem>>, vector<16xi32>,
      tpu.vector_store %arg15[%swap3A_523, %swap3A_524], %get3A_522 {strides = array<i32>} : memref<28x112xi32, #tpu.memory_space<vmem>>, vector<16xi32>,
      %mul3A_526 = arith.constant 112 : i32
      %mul3A_527 = arith.muli %while3A_471, %mul3A_526 : i32
      %add3A_528 = arith.constant 96 : i32
      %add3A_529 = arith.addi %mul3A_527, %add3A_528 : i32
      %get3A_530 = arith.index_cast %add3A_529 : i32 to index
      %get3A_531 = tpu.vector_load %arg14[%get3A_530] {strides = array<i32>} : memref<3152xi32, #tpu.memory_space<vmem>>, vector<16xi32>,
      %swap3A_532 = arith.index_cast %while3A_471 : i32 to index
      %swap3A_533 = arith.constant 96 : index
      %swap3A_534 = tpu.vector_load %arg15[%swap3A_532, %swap3A_533] {strides = array<i32>} : memref<28x112xi32, #tpu.memory_space<vmem>>, vector<16xi32>,
      tpu.vector_store %arg15[%swap3A_532, %swap3A_533], %get3A_531 {strides = array<i32>} : memref<28x112xi32, #tpu.memory_space<vmem>>, vector<16xi32>,
    }
    %while3A_327 = arith.constant 1 : i32
    scf.for %while3A_471 = %while3A_325 to %while3A_321 step %while3A_327  : i32 {
      %mul3A_472 = arith.constant 112 : i32
      %mul3A_473 = arith.muli %while3A_471, %mul3A_472 : i32
      %add3A_474 = arith.constant 0 : i32
      %add3A_475 = arith.addi %mul3A_473, %add3A_474 : i32
      %get3A_476 = arith.index_cast %add3A_475 : i32 to index
      %get3A_477 = tpu.vector_load %arg14[%get3A_476] {strides = array<i32>} : memref<3152xi32, #tpu.memory_space<vmem>>, vector<16xi32>,
      %swap3A_478 = arith.index_cast %while3A_471 : i32 to index
      %swap3A_479 = arith.constant 0 : index
      %swap3A_480 = tpu.vector_load %arg15[%swap3A_478, %swap3A_479] {strides = array<i32>} : memref<28x112xi32, #tpu.memory_space<vmem>>, vector<16xi32>,
      tpu.vector_store %arg15[%swap3A_478, %swap3A_479], %get3A_477 {strides = array<i32>} : memref<28x112xi32, #tpu.memory_space<vmem>>, vector<16xi32>,
      %mul3A_481 = arith.constant 112 : i32
      %mul3A_482 = arith.muli %while3A_471, %mul3A_481 : i32
      %add3A_483 = arith.constant 16 : i32
      %add3A_484 = arith.addi %mul3A_482, %add3A_483 : i32
      %get3A_485 = arith.index_cast %add3A_484 : i32 to index
      %get3A_486 = tpu.vector_load %arg14[%get3A_485] {strides = array<i32>} : memref<3152xi32, #tpu.memory_space<vmem>>, vector<16xi32>,
      %swap3A_487 = arith.index_cast %while3A_471 : i32 to index
      %swap3A_488 = arith.constant 16 : index
      %swap3A_489 = tpu.vector_load %arg15[%swap3A_487, %swap3A_488] {strides = array<i32>} : memref<28x112xi32, #tpu.memory_space<vmem>>, vector<16xi32>,
      tpu.vector_store %arg15[%swap3A_487, %swap3A_488], %get3A_486 {strides = array<i32>} : memref<28x112xi32, #tpu.memory_space<vmem>>, vector<16xi32>,
      %mul3A_490 = arith.constant 112 : i32
      %mul3A_491 = arith.muli %while3A_471, %mul3A_490 : i32
      %add3A_492 = arith.constant 32 : i32
      %add3A_493 = arith.addi %mul3A_491, %add3A_492 : i32
      %get3A_494 = arith.index_cast %add3A_493 : i32 to index
      %get3A_495 = tpu.vector_load %arg14[%get3A_494] {strides = array<i32>} : memref<3152xi32, #tpu.memory_space<vmem>>, vector<16xi32>,
      %swap3A_496 = arith.index_cast %while3A_471 : i32 to index
      %swap3A_497 = arith.constant 32 : index
      %swap3A_498 = tpu.vector_load %arg15[%swap3A_496, %swap3A_497] {strides = array<i32>} : memref<28x112xi32, #tpu.memory_space<vmem>>, vector<16xi32>,
      tpu.vector_store %arg15[%swap3A_496, %swap3A_497], %get3A_495 {strides = array<i32>} : memref<28x112xi32, #tpu.memory_space<vmem>>, vector<16xi32>,
      %mul3A_499 = arith.constant 112 : i32
      %mul3A_500 = arith.muli %while3A_471, %mul3A_499 : i32
      %add3A_501 = arith.constant 48 : i32
      %add3A_502 = arith.addi %mul3A_500, %add3A_501 : i32
      %get3A_503 = arith.index_cast %add3A_502 : i32 to index
      %get3A_504 = tpu.vector_load %arg14[%get3A_503] {strides = array<i32>} : memref<3152xi32, #tpu.memory_space<vmem>>, vector<16xi32>,
      %swap3A_505 = arith.index_cast %while3A_471 : i32 to index
      %swap3A_506 = arith.constant 48 : index
      %swap3A_507 = tpu.vector_load %arg15[%swap3A_505, %swap3A_506] {strides = array<i32>} : memref<28x112xi32, #tpu.memory_space<vmem>>, vector<16xi32>,
      tpu.vector_store %arg15[%swap3A_505, %swap3A_506], %get3A_504 {strides = array<i32>} : memref<28x112xi32, #tpu.memory_space<vmem>>, vector<16xi32>,
      %mul3A_508 = arith.constant 112 : i32
      %mul3A_509 = arith.muli %while3A_471, %mul3A_508 : i32
      %add3A_510 = arith.constant 64 : i32
      %add3A_511 = arith.addi %mul3A_509, %add3A_510 : i32
      %get3A_512 = arith.index_cast %add3A_511 : i32 to index
      %get3A_513 = tpu.vector_load %arg14[%get3A_512] {strides = array<i32>} : memref<3152xi32, #tpu.memory_space<vmem>>, vector<16xi32>,
      %swap3A_514 = arith.index_cast %while3A_471 : i32 to index
      %swap3A_515 = arith.constant 64 : index
      %swap3A_516 = tpu.vector_load %arg15[%swap3A_514, %swap3A_515] {strides = array<i32>} : memref<28x112xi32, #tpu.memory_space<vmem>>, vector<16xi32>,
      tpu.vector_store %arg15[%swap3A_514, %swap3A_515], %get3A_513 {strides = array<i32>} : memref<28x112xi32, #tpu.memory_space<vmem>>, vector<16xi32>,
      %mul3A_517 = arith.constant 112 : i32
      %mul3A_518 = arith.muli %while3A_471, %mul3A_517 : i32
      %add3A_519 = arith.constant 80 : i32
      %add3A_520 = arith.addi %mul3A_518, %add3A_519 : i32
      %get3A_521 = arith.index_cast %add3A_520 : i32 to index
      %get3A_522 = tpu.vector_load %arg14[%get3A_521] {strides = array<i32>} : memref<3152xi32, #tpu.memory_space<vmem>>, vector<16xi32>,
      %swap3A_523 = arith.index_cast %while3A_471 : i32 to index
      %swap3A_524 = arith.constant 80 : index
      %swap3A_525 = tpu.vector_load %arg15[%swap3A_523, %swap3A_524] {strides = array<i32>} : memref<28x112xi32, #tpu.memory_space<vmem>>, vector<16xi32>,
      tpu.vector_store %arg15[%swap3A_523, %swap3A_524], %get3A_522 {strides = array<i32>} : memref<28x112xi32, #tpu.memory_space<vmem>>, vector<16xi32>,
      %mul3A_526 = arith.constant 112 : i32
      %mul3A_527 = arith.muli %while3A_471, %mul3A_526 : i32
      %add3A_528 = arith.constant 96 : i32
      %add3A_529 = arith.addi %mul3A_527, %add3A_528 : i32
      %get3A_530 = arith.index_cast %add3A_529 : i32 to index
      %get3A_531 = tpu.vector_load %arg14[%get3A_530] {strides = array<i32>} : memref<3152xi32, #tpu.memory_space<vmem>>, vector<16xi32>,
      %swap3A_532 = arith.index_cast %while3A_471 : i32 to index
      %swap3A_533 = arith.constant 96 : index
      %swap3A_534 = tpu.vector_load %arg15[%swap3A_532, %swap3A_533] {strides = array<i32>} : memref<28x112xi32, #tpu.memory_space<vmem>>, vector<16xi32>,
      tpu.vector_store %arg15[%swap3A_532, %swap3A_533], %get3A_531 {strides = array<i32>} : memref<28x112xi32, #tpu.memory_space<vmem>>, vector<16xi32>,
    }
    %dma_wait3A = arith.constant 0 : i32
    %dma_wait3A_328 = tpu.memref_slice %arg7[%add3A_28, %dma_wait3A] : memref<100000x128xf32, #tpu.memory_space<hbm>> -> memref<112x128xf32, #tpu.memory_space<hbm>>
    %dma_wait3A_329 = arith.constant 0 : i32
    %dma_wait3A_330 = tpu.memref_slice %arg7[%add3A_28, %dma_wait3A_329] : memref<100000x128xf32, #tpu.memory_space<hbm>> -> memref<112x128xf32, #tpu.memory_space<hbm>>
    tpu.wait_dma2 semaphore(%arg20 : memref<!tpu.dma_semaphore, #tpu.memory_space<semaphore_mem>>) src(%arg17 : memref<112x128xf32, #tpu.memory_space<vmem>>) dst(%dma_wait3A_330 : memref<112x128xf32, #tpu.memory_space<hbm>>)
    %dma_wait3A_331 = arith.constant 0 : i32
    %dma_wait3A_332 = tpu.memref_slice %arg7[%add3A_33, %dma_wait3A_331] : memref<100000x128xf32, #tpu.memory_space<hbm>> -> memref<112x128xf32, #tpu.memory_space<hbm>>
    %dma_wait3A_333 = arith.constant 0 : i32
    %dma_wait3A_334 = tpu.memref_slice %arg7[%add3A_33, %dma_wait3A_333] : memref<100000x128xf32, #tpu.memory_space<hbm>> -> memref<112x128xf32, #tpu.memory_space<hbm>>
    tpu.wait_dma2 semaphore(%arg20 : memref<!tpu.dma_semaphore, #tpu.memory_space<semaphore_mem>>) src(%arg17 : memref<112x128xf32, #tpu.memory_space<vmem>>) dst(%dma_wait3A_334 : memref<112x128xf32, #tpu.memory_space<hbm>>)
    %dma_wait3A_335 = arith.constant 0 : i32
    %dma_wait3A_336 = tpu.memref_slice %arg7[%add3A_39, %dma_wait3A_335] : memref<100000x128xf32, #tpu.memory_space<hbm>> -> memref<112x128xf32, #tpu.memory_space<hbm>>
    %dma_wait3A_337 = arith.constant 0 : i32
    %dma_wait3A_338 = tpu.memref_slice %arg7[%add3A_39, %dma_wait3A_337] : memref<100000x128xf32, #tpu.memory_space<hbm>> -> memref<112x128xf32, #tpu.memory_space<hbm>>
    tpu.wait_dma2 semaphore(%arg20 : memref<!tpu.dma_semaphore, #tpu.memory_space<semaphore_mem>>) src(%arg17 : memref<112x128xf32, #tpu.memory_space<vmem>>) dst(%dma_wait3A_338 : memref<112x128xf32, #tpu.memory_space<hbm>>)
    %dma_wait3A_339 = arith.constant 0 : i32
    %dma_wait3A_340 = tpu.memref_slice %arg7[%add3A_45, %dma_wait3A_339] : memref<100000x128xf32, #tpu.memory_space<hbm>> -> memref<112x128xf32, #tpu.memory_space<hbm>>
    %dma_wait3A_341 = arith.constant 0 : i32
    %dma_wait3A_342 = tpu.memref_slice %arg7[%add3A_45, %dma_wait3A_341] : memref<100000x128xf32, #tpu.memory_space<hbm>> -> memref<112x128xf32, #tpu.memory_space<hbm>>
    tpu.wait_dma2 semaphore(%arg20 : memref<!tpu.dma_semaphore, #tpu.memory_space<semaphore_mem>>) src(%arg17 : memref<112x128xf32, #tpu.memory_space<vmem>>) dst(%dma_wait3A_342 : memref<112x128xf32, #tpu.memory_space<hbm>>)
    %dma_wait3A_343 = arith.constant 0 : i32
    %dma_wait3A_344 = tpu.memref_slice %arg7[%add3A_51, %dma_wait3A_343] : memref<100000x128xf32, #tpu.memory_space<hbm>> -> memref<112x128xf32, #tpu.memory_space<hbm>>
    %dma_wait3A_345 = arith.constant 0 : i32
    %dma_wait3A_346 = tpu.memref_slice %arg7[%add3A_51, %dma_wait3A_345] : memref<100000x128xf32, #tpu.memory_space<hbm>> -> memref<112x128xf32, #tpu.memory_space<hbm>>
    tpu.wait_dma2 semaphore(%arg20 : memref<!tpu.dma_semaphore, #tpu.memory_space<semaphore_mem>>) src(%arg17 : memref<112x128xf32, #tpu.memory_space<vmem>>) dst(%dma_wait3A_346 : memref<112x128xf32, #tpu.memory_space<hbm>>)
    %dma_wait3A_347 = arith.constant 0 : i32
    %dma_wait3A_348 = tpu.memref_slice %arg7[%add3A_57, %dma_wait3A_347] : memref<100000x128xf32, #tpu.memory_space<hbm>> -> memref<112x128xf32, #tpu.memory_space<hbm>>
    %dma_wait3A_349 = arith.constant 0 : i32
    %dma_wait3A_350 = tpu.memref_slice %arg7[%add3A_57, %dma_wait3A_349] : memref<100000x128xf32, #tpu.memory_space<hbm>> -> memref<112x128xf32, #tpu.memory_space<hbm>>
    tpu.wait_dma2 semaphore(%arg20 : memref<!tpu.dma_semaphore, #tpu.memory_space<semaphore_mem>>) src(%arg17 : memref<112x128xf32, #tpu.memory_space<vmem>>) dst(%dma_wait3A_350 : memref<112x128xf32, #tpu.memory_space<hbm>>)
    %dma_wait3A_351 = arith.constant 0 : i32
    %dma_wait3A_352 = tpu.memref_slice %arg7[%add3A_63, %dma_wait3A_351] : memref<100000x128xf32, #tpu.memory_space<hbm>> -> memref<112x128xf32, #tpu.memory_space<hbm>>
    %dma_wait3A_353 = arith.constant 0 : i32
    %dma_wait3A_354 = tpu.memref_slice %arg7[%add3A_63, %dma_wait3A_353] : memref<100000x128xf32, #tpu.memory_space<hbm>> -> memref<112x128xf32, #tpu.memory_space<hbm>>
    tpu.wait_dma2 semaphore(%arg20 : memref<!tpu.dma_semaphore, #tpu.memory_space<semaphore_mem>>) src(%arg17 : memref<112x128xf32, #tpu.memory_space<vmem>>) dst(%dma_wait3A_354 : memref<112x128xf32, #tpu.memory_space<hbm>>)
    %dma_wait3A_355 = arith.constant 0 : i32
    %dma_wait3A_356 = tpu.memref_slice %arg7[%add3A_69, %dma_wait3A_355] : memref<100000x128xf32, #tpu.memory_space<hbm>> -> memref<112x128xf32, #tpu.memory_space<hbm>>
    %dma_wait3A_357 = arith.constant 0 : i32
    %dma_wait3A_358 = tpu.memref_slice %arg7[%add3A_69, %dma_wait3A_357] : memref<100000x128xf32, #tpu.memory_space<hbm>> -> memref<112x128xf32, #tpu.memory_space<hbm>>
    tpu.wait_dma2 semaphore(%arg20 : memref<!tpu.dma_semaphore, #tpu.memory_space<semaphore_mem>>) src(%arg17 : memref<112x128xf32, #tpu.memory_space<vmem>>) dst(%dma_wait3A_358 : memref<112x128xf32, #tpu.memory_space<hbm>>)
    %dma_wait3A_359 = arith.constant 0 : i32
    %dma_wait3A_360 = tpu.memref_slice %arg7[%add3A_75, %dma_wait3A_359] : memref<100000x128xf32, #tpu.memory_space<hbm>> -> memref<112x128xf32, #tpu.memory_space<hbm>>
    %dma_wait3A_361 = arith.constant 0 : i32
    %dma_wait3A_362 = tpu.memref_slice %arg7[%add3A_75, %dma_wait3A_361] : memref<100000x128xf32, #tpu.memory_space<hbm>> -> memref<112x128xf32, #tpu.memory_space<hbm>>
    tpu.wait_dma2 semaphore(%arg20 : memref<!tpu.dma_semaphore, #tpu.memory_space<semaphore_mem>>) src(%arg17 : memref<112x128xf32, #tpu.memory_space<vmem>>) dst(%dma_wait3A_362 : memref<112x128xf32, #tpu.memory_space<hbm>>)
    %dma_wait3A_363 = arith.constant 0 : i32
    %dma_wait3A_364 = tpu.memref_slice %arg7[%add3A_81, %dma_wait3A_363] : memref<100000x128xf32, #tpu.memory_space<hbm>> -> memref<112x128xf32, #tpu.memory_space<hbm>>
    %dma_wait3A_365 = arith.constant 0 : i32
    %dma_wait3A_366 = tpu.memref_slice %arg7[%add3A_81, %dma_wait3A_365] : memref<100000x128xf32, #tpu.memory_space<hbm>> -> memref<112x128xf32, #tpu.memory_space<hbm>>
    tpu.wait_dma2 semaphore(%arg20 : memref<!tpu.dma_semaphore, #tpu.memory_space<semaphore_mem>>) src(%arg17 : memref<112x128xf32, #tpu.memory_space<vmem>>) dst(%dma_wait3A_366 : memref<112x128xf32, #tpu.memory_space<hbm>>)
    %dma_wait3A_367 = arith.constant 0 : i32
    %dma_wait3A_368 = tpu.memref_slice %arg7[%add3A_87, %dma_wait3A_367] : memref<100000x128xf32, #tpu.memory_space<hbm>> -> memref<112x128xf32, #tpu.memory_space<hbm>>
    %dma_wait3A_369 = arith.constant 0 : i32
    %dma_wait3A_370 = tpu.memref_slice %arg7[%add3A_87, %dma_wait3A_369] : memref<100000x128xf32, #tpu.memory_space<hbm>> -> memref<112x128xf32, #tpu.memory_space<hbm>>
    tpu.wait_dma2 semaphore(%arg20 : memref<!tpu.dma_semaphore, #tpu.memory_space<semaphore_mem>>) src(%arg17 : memref<112x128xf32, #tpu.memory_space<vmem>>) dst(%dma_wait3A_370 : memref<112x128xf32, #tpu.memory_space<hbm>>)
    %dma_wait3A_371 = arith.constant 0 : i32
    %dma_wait3A_372 = tpu.memref_slice %arg7[%add3A_93, %dma_wait3A_371] : memref<100000x128xf32, #tpu.memory_space<hbm>> -> memref<112x128xf32, #tpu.memory_space<hbm>>
    %dma_wait3A_373 = arith.constant 0 : i32
    %dma_wait3A_374 = tpu.memref_slice %arg7[%add3A_93, %dma_wait3A_373] : memref<100000x128xf32, #tpu.memory_space<hbm>> -> memref<112x128xf32, #tpu.memory_space<hbm>>
    tpu.wait_dma2 semaphore(%arg20 : memref<!tpu.dma_semaphore, #tpu.memory_space<semaphore_mem>>) src(%arg17 : memref<112x128xf32, #tpu.memory_space<vmem>>) dst(%dma_wait3A_374 : memref<112x128xf32, #tpu.memory_space<hbm>>)
    %dma_wait3A_375 = arith.constant 0 : i32
    %dma_wait3A_376 = tpu.memref_slice %arg7[%add3A_99, %dma_wait3A_375] : memref<100000x128xf32, #tpu.memory_space<hbm>> -> memref<112x128xf32, #tpu.memory_space<hbm>>
    %dma_wait3A_377 = arith.constant 0 : i32
    %dma_wait3A_378 = tpu.memref_slice %arg7[%add3A_99, %dma_wait3A_377] : memref<100000x128xf32, #tpu.memory_space<hbm>> -> memref<112x128xf32, #tpu.memory_space<hbm>>
    tpu.wait_dma2 semaphore(%arg20 : memref<!tpu.dma_semaphore, #tpu.memory_space<semaphore_mem>>) src(%arg17 : memref<112x128xf32, #tpu.memory_space<vmem>>) dst(%dma_wait3A_378 : memref<112x128xf32, #tpu.memory_space<hbm>>)
    %dma_wait3A_379 = arith.constant 0 : i32
    %dma_wait3A_380 = tpu.memref_slice %arg7[%add3A_105, %dma_wait3A_379] : memref<100000x128xf32, #tpu.memory_space<hbm>> -> memref<112x128xf32, #tpu.memory_space<hbm>>
    %dma_wait3A_381 = arith.constant 0 : i32
    %dma_wait3A_382 = tpu.memref_slice %arg7[%add3A_105, %dma_wait3A_381] : memref<100000x128xf32, #tpu.memory_space<hbm>> -> memref<112x128xf32, #tpu.memory_space<hbm>>
    tpu.wait_dma2 semaphore(%arg20 : memref<!tpu.dma_semaphore, #tpu.memory_space<semaphore_mem>>) src(%arg17 : memref<112x128xf32, #tpu.memory_space<vmem>>) dst(%dma_wait3A_382 : memref<112x128xf32, #tpu.memory_space<hbm>>)
    %dma_wait3A_383 = arith.constant 0 : i32
    %dma_wait3A_384 = tpu.memref_slice %arg7[%add3A_111, %dma_wait3A_383] : memref<100000x128xf32, #tpu.memory_space<hbm>> -> memref<112x128xf32, #tpu.memory_space<hbm>>
    %dma_wait3A_385 = arith.constant 0 : i32
    %dma_wait3A_386 = tpu.memref_slice %arg7[%add3A_111, %dma_wait3A_385] : memref<100000x128xf32, #tpu.memory_space<hbm>> -> memref<112x128xf32, #tpu.memory_space<hbm>>
    tpu.wait_dma2 semaphore(%arg20 : memref<!tpu.dma_semaphore, #tpu.memory_space<semaphore_mem>>) src(%arg17 : memref<112x128xf32, #tpu.memory_space<vmem>>) dst(%dma_wait3A_386 : memref<112x128xf32, #tpu.memory_space<hbm>>)
    %dma_wait3A_387 = arith.constant 0 : i32
    %dma_wait3A_388 = tpu.memref_slice %arg7[%add3A_117, %dma_wait3A_387] : memref<100000x128xf32, #tpu.memory_space<hbm>> -> memref<112x128xf32, #tpu.memory_space<hbm>>
    %dma_wait3A_389 = arith.constant 0 : i32
    %dma_wait3A_390 = tpu.memref_slice %arg7[%add3A_117, %dma_wait3A_389] : memref<100000x128xf32, #tpu.memory_space<hbm>> -> memref<112x128xf32, #tpu.memory_space<hbm>>
    tpu.wait_dma2 semaphore(%arg20 : memref<!tpu.dma_semaphore, #tpu.memory_space<semaphore_mem>>) src(%arg17 : memref<112x128xf32, #tpu.memory_space<vmem>>) dst(%dma_wait3A_390 : memref<112x128xf32, #tpu.memory_space<hbm>>)
    %dma_wait3A_391 = arith.constant 0 : i32
    %dma_wait3A_392 = tpu.memref_slice %arg7[%add3A_123, %dma_wait3A_391] : memref<100000x128xf32, #tpu.memory_space<hbm>> -> memref<112x128xf32, #tpu.memory_space<hbm>>
    %dma_wait3A_393 = arith.constant 0 : i32
    %dma_wait3A_394 = tpu.memref_slice %arg7[%add3A_123, %dma_wait3A_393] : memref<100000x128xf32, #tpu.memory_space<hbm>> -> memref<112x128xf32, #tpu.memory_space<hbm>>
    tpu.wait_dma2 semaphore(%arg20 : memref<!tpu.dma_semaphore, #tpu.memory_space<semaphore_mem>>) src(%arg17 : memref<112x128xf32, #tpu.memory_space<vmem>>) dst(%dma_wait3A_394 : memref<112x128xf32, #tpu.memory_space<hbm>>)
    %dma_wait3A_395 = arith.constant 0 : i32
    %dma_wait3A_396 = tpu.memref_slice %arg7[%add3A_129, %dma_wait3A_395] : memref<100000x128xf32, #tpu.memory_space<hbm>> -> memref<112x128xf32, #tpu.memory_space<hbm>>
    %dma_wait3A_397 = arith.constant 0 : i32
    %dma_wait3A_398 = tpu.memref_slice %arg7[%add3A_129, %dma_wait3A_397] : memref<100000x128xf32, #tpu.memory_space<hbm>> -> memref<112x128xf32, #tpu.memory_space<hbm>>
    tpu.wait_dma2 semaphore(%arg20 : memref<!tpu.dma_semaphore, #tpu.memory_space<semaphore_mem>>) src(%arg17 : memref<112x128xf32, #tpu.memory_space<vmem>>) dst(%dma_wait3A_398 : memref<112x128xf32, #tpu.memory_space<hbm>>)
    %dma_wait3A_399 = arith.constant 0 : i32
    %dma_wait3A_400 = tpu.memref_slice %arg7[%add3A_135, %dma_wait3A_399] : memref<100000x128xf32, #tpu.memory_space<hbm>> -> memref<112x128xf32, #tpu.memory_space<hbm>>
    %dma_wait3A_401 = arith.constant 0 : i32
    %dma_wait3A_402 = tpu.memref_slice %arg7[%add3A_135, %dma_wait3A_401] : memref<100000x128xf32, #tpu.memory_space<hbm>> -> memref<112x128xf32, #tpu.memory_space<hbm>>
    tpu.wait_dma2 semaphore(%arg20 : memref<!tpu.dma_semaphore, #tpu.memory_space<semaphore_mem>>) src(%arg17 : memref<112x128xf32, #tpu.memory_space<vmem>>) dst(%dma_wait3A_402 : memref<112x128xf32, #tpu.memory_space<hbm>>)
    %dma_wait3A_403 = arith.constant 0 : i32
    %dma_wait3A_404 = tpu.memref_slice %arg7[%add3A_141, %dma_wait3A_403] : memref<100000x128xf32, #tpu.memory_space<hbm>> -> memref<112x128xf32, #tpu.memory_space<hbm>>
    %dma_wait3A_405 = arith.constant 0 : i32
    %dma_wait3A_406 = tpu.memref_slice %arg7[%add3A_141, %dma_wait3A_405] : memref<100000x128xf32, #tpu.memory_space<hbm>> -> memref<112x128xf32, #tpu.memory_space<hbm>>
    tpu.wait_dma2 semaphore(%arg20 : memref<!tpu.dma_semaphore, #tpu.memory_space<semaphore_mem>>) src(%arg17 : memref<112x128xf32, #tpu.memory_space<vmem>>) dst(%dma_wait3A_406 : memref<112x128xf32, #tpu.memory_space<hbm>>)
    %dma_wait3A_407 = arith.constant 0 : i32
    %dma_wait3A_408 = tpu.memref_slice %arg7[%add3A_147, %dma_wait3A_407] : memref<100000x128xf32, #tpu.memory_space<hbm>> -> memref<112x128xf32, #tpu.memory_space<hbm>>
    %dma_wait3A_409 = arith.constant 0 : i32
    %dma_wait3A_410 = tpu.memref_slice %arg7[%add3A_147, %dma_wait3A_409] : memref<100000x128xf32, #tpu.memory_space<hbm>> -> memref<112x128xf32, #tpu.memory_space<hbm>>
    tpu.wait_dma2 semaphore(%arg20 : memref<!tpu.dma_semaphore, #tpu.memory_space<semaphore_mem>>) src(%arg17 : memref<112x128xf32, #tpu.memory_space<vmem>>) dst(%dma_wait3A_410 : memref<112x128xf32, #tpu.memory_space<hbm>>)
    %dma_wait3A_411 = arith.constant 0 : i32
    %dma_wait3A_412 = tpu.memref_slice %arg7[%add3A_153, %dma_wait3A_411] : memref<100000x128xf32, #tpu.memory_space<hbm>> -> memref<112x128xf32, #tpu.memory_space<hbm>>
    %dma_wait3A_413 = arith.constant 0 : i32
    %dma_wait3A_414 = tpu.memref_slice %arg7[%add3A_153, %dma_wait3A_413] : memref<100000x128xf32, #tpu.memory_space<hbm>> -> memref<112x128xf32, #tpu.memory_space<hbm>>
    tpu.wait_dma2 semaphore(%arg20 : memref<!tpu.dma_semaphore, #tpu.memory_space<semaphore_mem>>) src(%arg17 : memref<112x128xf32, #tpu.memory_space<vmem>>) dst(%dma_wait3A_414 : memref<112x128xf32, #tpu.memory_space<hbm>>)
    %dma_wait3A_415 = arith.constant 0 : i32
    %dma_wait3A_416 = tpu.memref_slice %arg7[%add3A_159, %dma_wait3A_415] : memref<100000x128xf32, #tpu.memory_space<hbm>> -> memref<112x128xf32, #tpu.memory_space<hbm>>
    %dma_wait3A_417 = arith.constant 0 : i32
    %dma_wait3A_418 = tpu.memref_slice %arg7[%add3A_159, %dma_wait3A_417] : memref<100000x128xf32, #tpu.memory_space<hbm>> -> memref<112x128xf32, #tpu.memory_space<hbm>>
    tpu.wait_dma2 semaphore(%arg20 : memref<!tpu.dma_semaphore, #tpu.memory_space<semaphore_mem>>) src(%arg17 : memref<112x128xf32, #tpu.memory_space<vmem>>) dst(%dma_wait3A_418 : memref<112x128xf32, #tpu.memory_space<hbm>>)
    %dma_wait3A_419 = arith.constant 0 : i32
    %dma_wait3A_420 = tpu.memref_slice %arg7[%add3A_165, %dma_wait3A_419] : memref<100000x128xf32, #tpu.memory_space<hbm>> -> memref<112x128xf32, #tpu.memory_space<hbm>>
    %dma_wait3A_421 = arith.constant 0 : i32
    %dma_wait3A_422 = tpu.memref_slice %arg7[%add3A_165, %dma_wait3A_421] : memref<100000x128xf32, #tpu.memory_space<hbm>> -> memref<112x128xf32, #tpu.memory_space<hbm>>
    tpu.wait_dma2 semaphore(%arg20 : memref<!tpu.dma_semaphore, #tpu.memory_space<semaphore_mem>>) src(%arg17 : memref<112x128xf32, #tpu.memory_space<vmem>>) dst(%dma_wait3A_422 : memref<112x128xf32, #tpu.memory_space<hbm>>)
    %dma_wait3A_423 = arith.constant 0 : i32
    %dma_wait3A_424 = tpu.memref_slice %arg7[%add3A_171, %dma_wait3A_423] : memref<100000x128xf32, #tpu.memory_space<hbm>> -> memref<112x128xf32, #tpu.memory_space<hbm>>
    %dma_wait3A_425 = arith.constant 0 : i32
    %dma_wait3A_426 = tpu.memref_slice %arg7[%add3A_171, %dma_wait3A_425] : memref<100000x128xf32, #tpu.memory_space<hbm>> -> memref<112x128xf32, #tpu.memory_space<hbm>>
    tpu.wait_dma2 semaphore(%arg20 : memref<!tpu.dma_semaphore, #tpu.memory_space<semaphore_mem>>) src(%arg17 : memref<112x128xf32, #tpu.memory_space<vmem>>) dst(%dma_wait3A_426 : memref<112x128xf32, #tpu.memory_space<hbm>>)
    %dma_wait3A_427 = arith.constant 0 : i32
    %dma_wait3A_428 = tpu.memref_slice %arg7[%add3A_177, %dma_wait3A_427] : memref<100000x128xf32, #tpu.memory_space<hbm>> -> memref<112x128xf32, #tpu.memory_space<hbm>>
    %dma_wait3A_429 = arith.constant 0 : i32
    %dma_wait3A_430 = tpu.memref_slice %arg7[%add3A_177, %dma_wait3A_429] : memref<100000x128xf32, #tpu.memory_space<hbm>> -> memref<112x128xf32, #tpu.memory_space<hbm>>
    tpu.wait_dma2 semaphore(%arg20 : memref<!tpu.dma_semaphore, #tpu.memory_space<semaphore_mem>>) src(%arg17 : memref<112x128xf32, #tpu.memory_space<vmem>>) dst(%dma_wait3A_430 : memref<112x128xf32, #tpu.memory_space<hbm>>)
    %dma_wait3A_431 = arith.constant 0 : i32
    %dma_wait3A_432 = tpu.memref_slice %arg7[%add3A_183, %dma_wait3A_431] : memref<100000x128xf32, #tpu.memory_space<hbm>> -> memref<112x128xf32, #tpu.memory_space<hbm>>
    %dma_wait3A_433 = arith.constant 0 : i32
    %dma_wait3A_434 = tpu.memref_slice %arg7[%add3A_183, %dma_wait3A_433] : memref<100000x128xf32, #tpu.memory_space<hbm>> -> memref<112x128xf32, #tpu.memory_space<hbm>>
    tpu.wait_dma2 semaphore(%arg20 : memref<!tpu.dma_semaphore, #tpu.memory_space<semaphore_mem>>) src(%arg17 : memref<112x128xf32, #tpu.memory_space<vmem>>) dst(%dma_wait3A_434 : memref<112x128xf32, #tpu.memory_space<hbm>>)
    "tpu.trace_stop"() : () -> ()
    "tpu.trace_start"() <{level = 10 : i32, message = "row_gather"}> : () -> ()
    %add3A_435 = arith.constant 1 : i32
    %add3A_436 = arith.addi %select_n3A_234, %add3A_435 : i32
    %jit3A_437 = arith.constant 2 : i32
    %div3A_438 = arith.divsi %add3A_436, %jit3A_437 : i32
    %sign3A_439 = arith.constant 0 : i32
    %sign3A_440 = arith.cmpi sgt, %add3A_436, %sign3A_439 : i32
    %sign3A_441 = arith.extui %sign3A_440 : i1 to i32
    %sign3A_442 = arith.constant 0 : i32
    %sign3A_443 = arith.cmpi slt, %add3A_436, %sign3A_442 : i32
    %sign3A_444 = arith.extui %sign3A_443 : i1 to i32
    %sign3A_445 = arith.subi %sign3A_441, %sign3A_444 : i32
    %sign3A_446 = arith.constant 0 : i32
    %sign3A_447 = arith.cmpi sgt, %jit3A_437, %sign3A_446 : i32
    %sign3A_448 = arith.extui %sign3A_447 : i1 to i32
    %sign3A_449 = arith.constant 0 : i32
    %sign3A_450 = arith.cmpi slt, %jit3A_437, %sign3A_449 : i32
    %sign3A_451 = arith.extui %sign3A_450 : i1 to i32
    %sign3A_452 = arith.subi %sign3A_448, %sign3A_451 : i32
    %ne3A_453 = arith.cmpi ne, %sign3A_445, %sign3A_452 : i32
    %rem3A_454 = arith.remsi %add3A_436, %jit3A_437 : i32
    %ne3A_455 = arith.constant 0 : i32
    %ne3A_456 = arith.cmpi ne, %rem3A_454, %ne3A_455 : i32
    %and3A_457 = arith.andi %ne3A_453, %ne3A_456 : i1
    %sub3A_458 = arith.constant 1 : i32
    %sub3A_459 = arith.subi %div3A_438, %sub3A_458 : i32
    %select_n3A_460 = arith.select %and3A_457, %sub3A_459, %div3A_438 : i32
    %while3A_461 = arith.constant 0 : i32
    %while3A_462 = arith.constant 0 : i32
    %while3A_463 = arith.subi %select_n3A_460, %while3A_462 : i32
    %while3A_464 = arith.addi %while3A_462, %while3A_463 : i32
    %while3A_465 = arith.constant 1 : i32
    %while3A_466 = arith.divsi %while3A_463, %while3A_465 : i32
    %while3A_467 = arith.muli %while3A_466, %while3A_465 : i32
    %while3A_468 = arith.addi %while3A_462, %while3A_467 : i32
    %while3A_469 = arith.constant 1 : i32
    scf.for %while3A_471 = %while3A_462 to %while3A_468 step %while3A_469  : i32 {
      %mul3A_472 = arith.constant 2 : i32
      %mul3A_473 = arith.muli %mul3A_472, %while3A_471 : i32
      %mul3A_474 = arith.constant 2 : i32
      %mul3A_475 = arith.muli %mul3A_474, %while3A_471 : i32
      %add3A_476 = arith.constant 1 : i32
      %add3A_477 = arith.addi %mul3A_475, %add3A_476 : i32
      %mul3A_478 = arith.constant 112 : i32
      %mul3A_479 = arith.muli %mul3A_473, %mul3A_478 : i32
      %dma_start3A_480 = tpu.memref_slice %arg13[%mul3A_479] : memref<3152xi32, #tpu.memory_space<vmem>> -> memref<112xi32, #tpu.memory_space<vmem>>
      %dma_start3A_481 = arith.constant 0 : i32
      %dma_start3A_482 = arith.constant 0 : i32
      %dma_start3A_483 = tpu.memref_slice %arg3[%dma_start3A_481, %dma_start3A_482] : memref<16384x128xf32, #tpu.memory_space<hbm>> -> memref<16384x128xf32, #tpu.memory_space<hbm>>
      tpu.enqueue_indirect_dma source(%dma_start3A_483 : memref<16384x128xf32, #tpu.memory_space<hbm>>) target(%arg16 : memref<112x128xf32, #tpu.memory_space<vmem>>) offsets(%dma_start3A_480 : memref<112xi32, #tpu.memory_space<vmem>>) semaphore(%arg18 : memref<!tpu.dma_semaphore, #tpu.memory_space<semaphore_mem>>)
      %lt3A_484 = arith.cmpi slt, %add3A_477, %select_n3A_234 : i32
      %convert_element_type3A_485 = arith.extui %lt3A_484 : i1 to i32
      %cond3A_486 = arith.constant 0 : i32
      %cond3A_487 = arith.cmpi ne, %convert_element_type3A_485, %cond3A_486 : i32
      scf.if %cond3A_487 {
        %mul3A_491 = arith.constant 112 : i32
        %mul3A_492 = arith.muli %add3A_477, %mul3A_491 : i32
        %dma_start3A_493 = tpu.memref_slice %arg13[%mul3A_492] : memref<3152xi32, #tpu.memory_space<vmem>> -> memref<112xi32, #tpu.memory_space<vmem>>
        %dma_start3A_494 = arith.constant 0 : i32
        %dma_start3A_495 = arith.constant 0 : i32
        %dma_start3A_496 = tpu.memref_slice %arg3[%dma_start3A_494, %dma_start3A_495] : memref<16384x128xf32, #tpu.memory_space<hbm>> -> memref<16384x128xf32, #tpu.memory_space<hbm>>
        tpu.enqueue_indirect_dma source(%dma_start3A_496 : memref<16384x128xf32, #tpu.memory_space<hbm>>) target(%arg17 : memref<112x128xf32, #tpu.memory_space<vmem>>) offsets(%dma_start3A_493 : memref<112xi32, #tpu.memory_space<vmem>>) semaphore(%arg19 : memref<!tpu.dma_semaphore, #tpu.memory_space<semaphore_mem>>)
        %dma_wait3A_497 = tpu.memref_slice %arg13[%mul3A_479] : memref<3152xi32, #tpu.memory_space<vmem>> -> memref<112xi32, #tpu.memory_space<vmem>>
        %dma_wait3A_498 = arith.constant 0 : i32
        %dma_wait3A_499 = arith.constant 0 : i32
        %dma_wait3A_500 = tpu.memref_slice %arg3[%dma_wait3A_498, %dma_wait3A_499] : memref<16384x128xf32, #tpu.memory_space<hbm>> -> memref<16384x128xf32, #tpu.memory_space<hbm>>
        tpu.wait_indirect_dma semaphore(%arg18 : memref<!tpu.dma_semaphore, #tpu.memory_space<semaphore_mem>>) src(%dma_wait3A_500 : memref<16384x128xf32, #tpu.memory_space<hbm>>) dst(%arg16 : memref<112x128xf32, #tpu.memory_space<vmem>>)
        %dma_start3A_501 = arith.constant 0 : i32
        %dma_start3A_502 = tpu.memref_slice %arg15[%mul3A_473, %dma_start3A_501] : memref<28x112xi32, #tpu.memory_space<vmem>> -> memref<1x112xi32, #tpu.memory_space<vmem>>
        %dma_start3A_503 = tpu.memref_squeeze %dma_start3A_502 : memref<1x112xi32, #tpu.memory_space<vmem>> -> memref<112xi32, #tpu.memory_space<vmem>>
        %dma_start3A_504 = arith.constant 0 : i32
        %dma_start3A_505 = arith.constant 0 : i32
        %dma_start3A_506 = tpu.memref_slice %arg7[%dma_start3A_504, %dma_start3A_505] : memref<100000x128xf32, #tpu.memory_space<hbm>> -> memref<100000x128xf32, #tpu.memory_space<hbm>>
        tpu.enqueue_indirect_dma source(%arg16 : memref<112x128xf32, #tpu.memory_space<vmem>>) target(%dma_start3A_506 : memref<100000x128xf32, #tpu.memory_space<hbm>>) offsets(%dma_start3A_503 : memref<112xi32, #tpu.memory_space<vmem>>) semaphore(%arg18 : memref<!tpu.dma_semaphore, #tpu.memory_space<semaphore_mem>>)
        %dma_wait3A_507 = arith.constant 0 : i32
        %dma_wait3A_508 = tpu.memref_slice %arg15[%mul3A_473, %dma_wait3A_507] : memref<28x112xi32, #tpu.memory_space<vmem>> -> memref<1x112xi32, #tpu.memory_space<vmem>>
        %dma_wait3A_509 = tpu.memref_squeeze %dma_wait3A_508 : memref<1x112xi32, #tpu.memory_space<vmem>> -> memref<112xi32, #tpu.memory_space<vmem>>
        %dma_wait3A_510 = arith.constant 0 : i32
        %dma_wait3A_511 = arith.constant 0 : i32
        %dma_wait3A_512 = tpu.memref_slice %arg7[%dma_wait3A_510, %dma_wait3A_511] : memref<100000x128xf32, #tpu.memory_space<hbm>> -> memref<100000x128xf32, #tpu.memory_space<hbm>>
        tpu.wait_indirect_dma semaphore(%arg18 : memref<!tpu.dma_semaphore, #tpu.memory_space<semaphore_mem>>) src(%arg16 : memref<112x128xf32, #tpu.memory_space<vmem>>) dst(%dma_wait3A_512 : memref<100000x128xf32, #tpu.memory_space<hbm>>)
        %dma_wait3A_513 = tpu.memref_slice %arg13[%mul3A_492] : memref<3152xi32, #tpu.memory_space<vmem>> -> memref<112xi32, #tpu.memory_space<vmem>>
        %dma_wait3A_514 = arith.constant 0 : i32
        %dma_wait3A_515 = arith.constant 0 : i32
        %dma_wait3A_516 = tpu.memref_slice %arg3[%dma_wait3A_514, %dma_wait3A_515] : memref<16384x128xf32, #tpu.memory_space<hbm>> -> memref<16384x128xf32, #tpu.memory_space<hbm>>
        tpu.wait_indirect_dma semaphore(%arg19 : memref<!tpu.dma_semaphore, #tpu.memory_space<semaphore_mem>>) src(%dma_wait3A_516 : memref<16384x128xf32, #tpu.memory_space<hbm>>) dst(%arg17 : memref<112x128xf32, #tpu.memory_space<vmem>>)
        %dma_start3A_517 = arith.constant 0 : i32
        %dma_start3A_518 = tpu.memref_slice %arg15[%add3A_477, %dma_start3A_517] : memref<28x112xi32, #tpu.memory_space<vmem>> -> memref<1x112xi32, #tpu.memory_space<vmem>>
        %dma_start3A_519 = tpu.memref_squeeze %dma_start3A_518 : memref<1x112xi32, #tpu.memory_space<vmem>> -> memref<112xi32, #tpu.memory_space<vmem>>
        %dma_start3A_520 = arith.constant 0 : i32
        %dma_start3A_521 = arith.constant 0 : i32
        %dma_start3A_522 = tpu.memref_slice %arg7[%dma_start3A_520, %dma_start3A_521] : memref<100000x128xf32, #tpu.memory_space<hbm>> -> memref<100000x128xf32, #tpu.memory_space<hbm>>
        tpu.enqueue_indirect_dma source(%arg17 : memref<112x128xf32, #tpu.memory_space<vmem>>) target(%dma_start3A_522 : memref<100000x128xf32, #tpu.memory_space<hbm>>) offsets(%dma_start3A_519 : memref<112xi32, #tpu.memory_space<vmem>>) semaphore(%arg19 : memref<!tpu.dma_semaphore, #tpu.memory_space<semaphore_mem>>)
        %dma_wait3A_523 = arith.constant 0 : i32
        %dma_wait3A_524 = tpu.memref_slice %arg15[%add3A_477, %dma_wait3A_523] : memref<28x112xi32, #tpu.memory_space<vmem>> -> memref<1x112xi32, #tpu.memory_space<vmem>>
        %dma_wait3A_525 = tpu.memref_squeeze %dma_wait3A_524 : memref<1x112xi32, #tpu.memory_space<vmem>> -> memref<112xi32, #tpu.memory_space<vmem>>
        %dma_wait3A_526 = arith.constant 0 : i32
        %dma_wait3A_527 = arith.constant 0 : i32
        %dma_wait3A_528 = tpu.memref_slice %arg7[%dma_wait3A_526, %dma_wait3A_527] : memref<100000x128xf32, #tpu.memory_space<hbm>> -> memref<100000x128xf32, #tpu.memory_space<hbm>>
        tpu.wait_indirect_dma semaphore(%arg19 : memref<!tpu.dma_semaphore, #tpu.memory_space<semaphore_mem>>) src(%arg17 : memref<112x128xf32, #tpu.memory_space<vmem>>) dst(%dma_wait3A_528 : memref<100000x128xf32, #tpu.memory_space<hbm>>)
      } else {
      }
      %ge3A = arith.cmpi sge, %add3A_477, %select_n3A_234 : i32
      %convert_element_type3A_488 = arith.extui %ge3A : i1 to i32
      %cond3A_489 = arith.constant 0 : i32
      %cond3A_490 = arith.cmpi ne, %convert_element_type3A_488, %cond3A_489 : i32
      scf.if %cond3A_490 {
        %dma_wait3A_491 = tpu.memref_slice %arg13[%mul3A_479] : memref<3152xi32, #tpu.memory_space<vmem>> -> memref<112xi32, #tpu.memory_space<vmem>>
        %dma_wait3A_492 = arith.constant 0 : i32
        %dma_wait3A_493 = arith.constant 0 : i32
        %dma_wait3A_494 = tpu.memref_slice %arg3[%dma_wait3A_492, %dma_wait3A_493] : memref<16384x128xf32, #tpu.memory_space<hbm>> -> memref<16384x128xf32, #tpu.memory_space<hbm>>
        tpu.wait_indirect_dma semaphore(%arg18 : memref<!tpu.dma_semaphore, #tpu.memory_space<semaphore_mem>>) src(%dma_wait3A_494 : memref<16384x128xf32, #tpu.memory_space<hbm>>) dst(%arg16 : memref<112x128xf32, #tpu.memory_space<vmem>>)
        %dma_start3A_495 = arith.constant 0 : i32
        %dma_start3A_496 = tpu.memref_slice %arg15[%mul3A_473, %dma_start3A_495] : memref<28x112xi32, #tpu.memory_space<vmem>> -> memref<1x112xi32, #tpu.memory_space<vmem>>
        %dma_start3A_497 = tpu.memref_squeeze %dma_start3A_496 : memref<1x112xi32, #tpu.memory_space<vmem>> -> memref<112xi32, #tpu.memory_space<vmem>>
        %dma_start3A_498 = arith.constant 0 : i32
        %dma_start3A_499 = arith.constant 0 : i32
        %dma_start3A_500 = tpu.memref_slice %arg7[%dma_start3A_498, %dma_start3A_499] : memref<100000x128xf32, #tpu.memory_space<hbm>> -> memref<100000x128xf32, #tpu.memory_space<hbm>>
        tpu.enqueue_indirect_dma source(%arg16 : memref<112x128xf32, #tpu.memory_space<vmem>>) target(%dma_start3A_500 : memref<100000x128xf32, #tpu.memory_space<hbm>>) offsets(%dma_start3A_497 : memref<112xi32, #tpu.memory_space<vmem>>) semaphore(%arg18 : memref<!tpu.dma_semaphore, #tpu.memory_space<semaphore_mem>>)
        %dma_wait3A_501 = arith.constant 0 : i32
        %dma_wait3A_502 = tpu.memref_slice %arg15[%mul3A_473, %dma_wait3A_501] : memref<28x112xi32, #tpu.memory_space<vmem>> -> memref<1x112xi32, #tpu.memory_space<vmem>>
        %dma_wait3A_503 = tpu.memref_squeeze %dma_wait3A_502 : memref<1x112xi32, #tpu.memory_space<vmem>> -> memref<112xi32, #tpu.memory_space<vmem>>
        %dma_wait3A_504 = arith.constant 0 : i32
        %dma_wait3A_505 = arith.constant 0 : i32
        %dma_wait3A_506 = tpu.memref_slice %arg7[%dma_wait3A_504, %dma_wait3A_505] : memref<100000x128xf32, #tpu.memory_space<hbm>> -> memref<100000x128xf32, #tpu.memory_space<hbm>>
        tpu.wait_indirect_dma semaphore(%arg18 : memref<!tpu.dma_semaphore, #tpu.memory_space<semaphore_mem>>) src(%arg16 : memref<112x128xf32, #tpu.memory_space<vmem>>) dst(%dma_wait3A_506 : memref<100000x128xf32, #tpu.memory_space<hbm>>)
      } else {
      }
    }
    %while3A_470 = arith.constant 1 : i32
    scf.for %while3A_471 = %while3A_468 to %while3A_464 step %while3A_470  : i32 {
      %mul3A_472 = arith.constant 2 : i32
      %mul3A_473 = arith.muli %mul3A_472, %while3A_471 : i32
      %mul3A_474 = arith.constant 2 : i32
      %mul3A_475 = arith.muli %mul3A_474, %while3A_471 : i32
      %add3A_476 = arith.constant 1 : i32
      %add3A_477 = arith.addi %mul3A_475, %add3A_476 : i32
      %mul3A_478 = arith.constant 112 : i32
      %mul3A_479 = arith.muli %mul3A_473, %mul3A_478 : i32
      %dma_start3A_480 = tpu.memref_slice %arg13[%mul3A_479] : memref<3152xi32, #tpu.memory_space<vmem>> -> memref<112xi32, #tpu.memory_space<vmem>>
      %dma_start3A_481 = arith.constant 0 : i32
      %dma_start3A_482 = arith.constant 0 : i32
      %dma_start3A_483 = tpu.memref_slice %arg3[%dma_start3A_481, %dma_start3A_482] : memref<16384x128xf32, #tpu.memory_space<hbm>> -> memref<16384x128xf32, #tpu.memory_space<hbm>>
      tpu.enqueue_indirect_dma source(%dma_start3A_483 : memref<16384x128xf32, #tpu.memory_space<hbm>>) target(%arg16 : memref<112x128xf32, #tpu.memory_space<vmem>>) offsets(%dma_start3A_480 : memref<112xi32, #tpu.memory_space<vmem>>) semaphore(%arg18 : memref<!tpu.dma_semaphore, #tpu.memory_space<semaphore_mem>>)
      %lt3A_484 = arith.cmpi slt, %add3A_477, %select_n3A_234 : i32
      %convert_element_type3A_485 = arith.extui %lt3A_484 : i1 to i32
      %cond3A_486 = arith.constant 0 : i32
      %cond3A_487 = arith.cmpi ne, %convert_element_type3A_485, %cond3A_486 : i32
      scf.if %cond3A_487 {
        %mul3A_491 = arith.constant 112 : i32
        %mul3A_492 = arith.muli %add3A_477, %mul3A_491 : i32
        %dma_start3A_493 = tpu.memref_slice %arg13[%mul3A_492] : memref<3152xi32, #tpu.memory_space<vmem>> -> memref<112xi32, #tpu.memory_space<vmem>>
        %dma_start3A_494 = arith.constant 0 : i32
        %dma_start3A_495 = arith.constant 0 : i32
        %dma_start3A_496 = tpu.memref_slice %arg3[%dma_start3A_494, %dma_start3A_495] : memref<16384x128xf32, #tpu.memory_space<hbm>> -> memref<16384x128xf32, #tpu.memory_space<hbm>>
        tpu.enqueue_indirect_dma source(%dma_start3A_496 : memref<16384x128xf32, #tpu.memory_space<hbm>>) target(%arg17 : memref<112x128xf32, #tpu.memory_space<vmem>>) offsets(%dma_start3A_493 : memref<112xi32, #tpu.memory_space<vmem>>) semaphore(%arg19 : memref<!tpu.dma_semaphore, #tpu.memory_space<semaphore_mem>>)
        %dma_wait3A_497 = tpu.memref_slice %arg13[%mul3A_479] : memref<3152xi32, #tpu.memory_space<vmem>> -> memref<112xi32, #tpu.memory_space<vmem>>
        %dma_wait3A_498 = arith.constant 0 : i32
        %dma_wait3A_499 = arith.constant 0 : i32
        %dma_wait3A_500 = tpu.memref_slice %arg3[%dma_wait3A_498, %dma_wait3A_499] : memref<16384x128xf32, #tpu.memory_space<hbm>> -> memref<16384x128xf32, #tpu.memory_space<hbm>>
        tpu.wait_indirect_dma semaphore(%arg18 : memref<!tpu.dma_semaphore, #tpu.memory_space<semaphore_mem>>) src(%dma_wait3A_500 : memref<16384x128xf32, #tpu.memory_space<hbm>>) dst(%arg16 : memref<112x128xf32, #tpu.memory_space<vmem>>)
        %dma_start3A_501 = arith.constant 0 : i32
        %dma_start3A_502 = tpu.memref_slice %arg15[%mul3A_473, %dma_start3A_501] : memref<28x112xi32, #tpu.memory_space<vmem>> -> memref<1x112xi32, #tpu.memory_space<vmem>>
        %dma_start3A_503 = tpu.memref_squeeze %dma_start3A_502 : memref<1x112xi32, #tpu.memory_space<vmem>> -> memref<112xi32, #tpu.memory_space<vmem>>
        %dma_start3A_504 = arith.constant 0 : i32
        %dma_start3A_505 = arith.constant 0 : i32
        %dma_start3A_506 = tpu.memref_slice %arg7[%dma_start3A_504, %dma_start3A_505] : memref<100000x128xf32, #tpu.memory_space<hbm>> -> memref<100000x128xf32, #tpu.memory_space<hbm>>
        tpu.enqueue_indirect_dma source(%arg16 : memref<112x128xf32, #tpu.memory_space<vmem>>) target(%dma_start3A_506 : memref<100000x128xf32, #tpu.memory_space<hbm>>) offsets(%dma_start3A_503 : memref<112xi32, #tpu.memory_space<vmem>>) semaphore(%arg18 : memref<!tpu.dma_semaphore, #tpu.memory_space<semaphore_mem>>)
        %dma_wait3A_507 = arith.constant 0 : i32
        %dma_wait3A_508 = tpu.memref_slice %arg15[%mul3A_473, %dma_wait3A_507] : memref<28x112xi32, #tpu.memory_space<vmem>> -> memref<1x112xi32, #tpu.memory_space<vmem>>
        %dma_wait3A_509 = tpu.memref_squeeze %dma_wait3A_508 : memref<1x112xi32, #tpu.memory_space<vmem>> -> memref<112xi32, #tpu.memory_space<vmem>>
        %dma_wait3A_510 = arith.constant 0 : i32
        %dma_wait3A_511 = arith.constant 0 : i32
        %dma_wait3A_512 = tpu.memref_slice %arg7[%dma_wait3A_510, %dma_wait3A_511] : memref<100000x128xf32, #tpu.memory_space<hbm>> -> memref<100000x128xf32, #tpu.memory_space<hbm>>
        tpu.wait_indirect_dma semaphore(%arg18 : memref<!tpu.dma_semaphore, #tpu.memory_space<semaphore_mem>>) src(%arg16 : memref<112x128xf32, #tpu.memory_space<vmem>>) dst(%dma_wait3A_512 : memref<100000x128xf32, #tpu.memory_space<hbm>>)
        %dma_wait3A_513 = tpu.memref_slice %arg13[%mul3A_492] : memref<3152xi32, #tpu.memory_space<vmem>> -> memref<112xi32, #tpu.memory_space<vmem>>
        %dma_wait3A_514 = arith.constant 0 : i32
        %dma_wait3A_515 = arith.constant 0 : i32
        %dma_wait3A_516 = tpu.memref_slice %arg3[%dma_wait3A_514, %dma_wait3A_515] : memref<16384x128xf32, #tpu.memory_space<hbm>> -> memref<16384x128xf32, #tpu.memory_space<hbm>>
        tpu.wait_indirect_dma semaphore(%arg19 : memref<!tpu.dma_semaphore, #tpu.memory_space<semaphore_mem>>) src(%dma_wait3A_516 : memref<16384x128xf32, #tpu.memory_space<hbm>>) dst(%arg17 : memref<112x128xf32, #tpu.memory_space<vmem>>)
        %dma_start3A_517 = arith.constant 0 : i32
        %dma_start3A_518 = tpu.memref_slice %arg15[%add3A_477, %dma_start3A_517] : memref<28x112xi32, #tpu.memory_space<vmem>> -> memref<1x112xi32, #tpu.memory_space<vmem>>
        %dma_start3A_519 = tpu.memref_squeeze %dma_start3A_518 : memref<1x112xi32, #tpu.memory_space<vmem>> -> memref<112xi32, #tpu.memory_space<vmem>>
        %dma_start3A_520 = arith.constant 0 : i32
        %dma_start3A_521 = arith.constant 0 : i32
        %dma_start3A_522 = tpu.memref_slice %arg7[%dma_start3A_520, %dma_start3A_521] : memref<100000x128xf32, #tpu.memory_space<hbm>> -> memref<100000x128xf32, #tpu.memory_space<hbm>>
        tpu.enqueue_indirect_dma source(%arg17 : memref<112x128xf32, #tpu.memory_space<vmem>>) target(%dma_start3A_522 : memref<100000x128xf32, #tpu.memory_space<hbm>>) offsets(%dma_start3A_519 : memref<112xi32, #tpu.memory_space<vmem>>) semaphore(%arg19 : memref<!tpu.dma_semaphore, #tpu.memory_space<semaphore_mem>>)
        %dma_wait3A_523 = arith.constant 0 : i32
        %dma_wait3A_524 = tpu.memref_slice %arg15[%add3A_477, %dma_wait3A_523] : memref<28x112xi32, #tpu.memory_space<vmem>> -> memref<1x112xi32, #tpu.memory_space<vmem>>
        %dma_wait3A_525 = tpu.memref_squeeze %dma_wait3A_524 : memref<1x112xi32, #tpu.memory_space<vmem>> -> memref<112xi32, #tpu.memory_space<vmem>>
        %dma_wait3A_526 = arith.constant 0 : i32
        %dma_wait3A_527 = arith.constant 0 : i32
        %dma_wait3A_528 = tpu.memref_slice %arg7[%dma_wait3A_526, %dma_wait3A_527] : memref<100000x128xf32, #tpu.memory_space<hbm>> -> memref<100000x128xf32, #tpu.memory_space<hbm>>
        tpu.wait_indirect_dma semaphore(%arg19 : memref<!tpu.dma_semaphore, #tpu.memory_space<semaphore_mem>>) src(%arg17 : memref<112x128xf32, #tpu.memory_space<vmem>>) dst(%dma_wait3A_528 : memref<100000x128xf32, #tpu.memory_space<hbm>>)
      } else {
      }
      %ge3A = arith.cmpi sge, %add3A_477, %select_n3A_234 : i32
      %convert_element_type3A_488 = arith.extui %ge3A : i1 to i32
      %cond3A_489 = arith.constant 0 : i32
      %cond3A_490 = arith.cmpi ne, %convert_element_type3A_488, %cond3A_489 : i32
      scf.if %cond3A_490 {
        %dma_wait3A_491 = tpu.memref_slice %arg13[%mul3A_479] : memref<3152xi32, #tpu.memory_space<vmem>> -> memref<112xi32, #tpu.memory_space<vmem>>
        %dma_wait3A_492 = arith.constant 0 : i32
        %dma_wait3A_493 = arith.constant 0 : i32
        %dma_wait3A_494 = tpu.memref_slice %arg3[%dma_wait3A_492, %dma_wait3A_493] : memref<16384x128xf32, #tpu.memory_space<hbm>> -> memref<16384x128xf32, #tpu.memory_space<hbm>>
        tpu.wait_indirect_dma semaphore(%arg18 : memref<!tpu.dma_semaphore, #tpu.memory_space<semaphore_mem>>) src(%dma_wait3A_494 : memref<16384x128xf32, #tpu.memory_space<hbm>>) dst(%arg16 : memref<112x128xf32, #tpu.memory_space<vmem>>)
        %dma_start3A_495 = arith.constant 0 : i32
        %dma_start3A_496 = tpu.memref_slice %arg15[%mul3A_473, %dma_start3A_495] : memref<28x112xi32, #tpu.memory_space<vmem>> -> memref<1x112xi32, #tpu.memory_space<vmem>>
        %dma_start3A_497 = tpu.memref_squeeze %dma_start3A_496 : memref<1x112xi32, #tpu.memory_space<vmem>> -> memref<112xi32, #tpu.memory_space<vmem>>
        %dma_start3A_498 = arith.constant 0 : i32
        %dma_start3A_499 = arith.constant 0 : i32
        %dma_start3A_500 = tpu.memref_slice %arg7[%dma_start3A_498, %dma_start3A_499] : memref<100000x128xf32, #tpu.memory_space<hbm>> -> memref<100000x128xf32, #tpu.memory_space<hbm>>
        tpu.enqueue_indirect_dma source(%arg16 : memref<112x128xf32, #tpu.memory_space<vmem>>) target(%dma_start3A_500 : memref<100000x128xf32, #tpu.memory_space<hbm>>) offsets(%dma_start3A_497 : memref<112xi32, #tpu.memory_space<vmem>>) semaphore(%arg18 : memref<!tpu.dma_semaphore, #tpu.memory_space<semaphore_mem>>)
        %dma_wait3A_501 = arith.constant 0 : i32
        %dma_wait3A_502 = tpu.memref_slice %arg15[%mul3A_473, %dma_wait3A_501] : memref<28x112xi32, #tpu.memory_space<vmem>> -> memref<1x112xi32, #tpu.memory_space<vmem>>
        %dma_wait3A_503 = tpu.memref_squeeze %dma_wait3A_502 : memref<1x112xi32, #tpu.memory_space<vmem>> -> memref<112xi32, #tpu.memory_space<vmem>>
        %dma_wait3A_504 = arith.constant 0 : i32
        %dma_wait3A_505 = arith.constant 0 : i32
        %dma_wait3A_506 = tpu.memref_slice %arg7[%dma_wait3A_504, %dma_wait3A_505] : memref<100000x128xf32, #tpu.memory_space<hbm>> -> memref<100000x128xf32, #tpu.memory_space<hbm>>
        tpu.wait_indirect_dma semaphore(%arg18 : memref<!tpu.dma_semaphore, #tpu.memory_space<semaphore_mem>>) src(%arg16 : memref<112x128xf32, #tpu.memory_space<vmem>>) dst(%dma_wait3A_506 : memref<100000x128xf32, #tpu.memory_space<hbm>>)
      } else {
      }
    }
    "tpu.trace_stop"() : () -> ()
    return
  }
}

</mosaic_0001>

<sc_bundles>
// kernel: _run.3.cloned.1.call-start
scs
__scs_entry_jumppad:
0x0: {  	(pc) =	sbr.rel $0x88, $3  }
0x1: {  	(tag) =	ssettag $0x0;
	lr =	simm.s32 $0x1  }
0x2: {  	[smem:$0x3F9E] =	sst lr;
	_ =	strace $0xD0000000  }
0x3: {  	_ = 	snop  }
0x4: {  	_ = 	snop  }
0x5: {  	_ = 	snop  }
0x6: {  	_ = 	snop  }
0x7: {  	_ = 	snop  }
__scs_overlays_trampoline_lowered:
0x8: {  	[smem:$0x3FAD] =	sst s0  }
0x9: {  	[smem:$0x3FAE] =	sst s1  }
0xa: {  	[smem:$0x3FAF] =	sst s2  }
0xb: {  	[smem:$0x3FB0] =	sst s3  }
0xc: {  	[smem:$0x3FB1] =	sst s4  }
0xd: {  	[smem:$0x3FB2] =	sst s5  }
0xe: {  	[smem:$0x3FB3] =	sst s6  }
0xf: {  	[smem:$0x3FB4] =	sst s7  }
0x10: {  	[smem:$0x3FB5] =	sst s8  }
0x11: {  	[smem:$0x3FB6] =	sst s9;
	s0 =	simm.s32 @!p0 $0x0  }
0x12: {  	s1 =	sld [smem:$0x3F9C];
	s0 =	simm.s32 @p0 $0x1  }
0x13: {  	[smem:$0x3FB7] =	sst s0;
	s0 =	simm.s32 @!p1 $0x0  }
0x14: {  	s2 =	sld [smem:$0x3F9B];
	s0 =	simm.s32 @p1 $0x1  }
0x15: {  	[smem:$0x3FB8] =	sst s0;
	s0 =	simm.s32 @!p2 $0x0  }
0x16: {  	s3 =	sld [smem:$0x3FDB];
	s0 =	simm.s32 @p2 $0x1  }
0x17: {  	s4 =	simm.s32 $0x1BF5;
	[smem:$0x3FBA] =	sst s0  }
0x18: {  	s0 =	sld [smem:$0x3F9D];
	_ =	swait.ge [sflag:s4], $0x0  }
0x19: {  	s7 =	sld [smem:$0x3F9E]  }
0x1a: {  	s8 =	sadd.s32 $0xFFFFE003, lr  }
0x1b: {  	s9 =	sadd.s32 $0xFFFFFEF7, lr;
	s5 =	simm.s32 $0xFFFFFFFF;
	p2 =	slt.u32 s8, $0xFFFFF086  }
0x1c: {  	p1 =	slt.u32 s9, $0xF7A;
	s5 =	simm.s32 @!p2 $0x0  }
0x1d: {  	s5 =	simm.s32 @p1 $0x1;
	p0 =	seq.s32 s7, s2  }
0x1e: {  	s7 =	smul.u32 @!p0 $0xF7A, s2;
	p2 =	seq.s32 @!p0 s5, $0x0  }
0x1f: {  	s9 =	smul.u32 $0xF7A, s1;
	s8 =	simm.s32 @!p0 $0x1BF5;
	p2 =	por !p2, p0  }
0x20: {  	[sflag:s8] =	ssyncset.s32 @!p0 $0xFFFFF086;
	s6 =	sadd.s32 @!p0 s3, s7;
	s7 =	simm.s32 @!p0 $0x108  }
0x21: {  	s3 =	sadd.s32 s3, s9;
	s6 =	sadd.s32 @!p0 $0x88, s6;
	s7 =	simm.s32 @p2 $0x1082  }
0x22: {  	[simem:s7], [sflag:s8] =	dma.local @!p0 [hbm:s6], $0xF7A  }
0x23: {  	s9 =	sor.u32 $0xD0000000, s2;
	s6 =	simm.s32 $0x108;
	_ =	swait.ge @!p0 [sflag:s8], $0x0  }
0x24: {  	s3 =	sadd.s32 $0x88, s3;
	s6 =	simm.s32 @!p1 $0x1082;
	[sflag:s4] =	ssyncset.s32 $0xFFFFF086  }
0x25: {  	[simem:s6], [sflag:s4] =	dma.local [hbm:s3], $0xF7A  }
0x26: {  	[smem:$0x3F9E] =	sst s1;
	(tag) =	ssettag s2;
	_ =	strace s9  }
0x27: {  	s1 =	sld [smem:$0x3FAE]  }
0x28: {  	s2 =	sld [smem:$0x3FAF]  }
0x29: {  	s4 =	sld [smem:$0x3FB1]  }
0x2a: {  	p0 =	seq.s32 s5, $0x0;
	s5 =	sld [smem:$0x3FB2]  }
0x2b: {  	s6 =	sld [smem:$0x3FB3]  }
0x2c: {  	s7 =	sld [smem:$0x3FB4]  }
0x2d: {  	s3 =	simm.s32 $0x108;
	s8 =	sld [smem:$0x3FB5]  }
0x2e: {  	s3 =	simm.s32 @!p0 $0x1082;
	s9 =	sld [smem:$0x3FB6]  }
0x2f: {  	lr =	sadd.s32 s0, s3;
	s0 =	sld [smem:$0x3FAD]  }
0x30: {  	s3 =	sld [smem:$0x3FB0]  }
0x31: {  	[smem:$0x3FB9] =	sst s10  }
0x32: {  	s10 =	sld [smem:$0x3FB7];
	_ =	sdelay $0x3  }
0x33: {  	p0 =	seq.s32 s10, $0x1;
	s10 =	sld [smem:$0x3FB9];
	_ =	sdelay $0x3  }
0x34: {  	[smem:$0x3FB9] =	sst s10  }
0x35: {  	s10 =	sld [smem:$0x3FB8];
	_ =	sdelay $0x3  }
0x36: {  	p1 =	seq.s32 s10, $0x1;
	s10 =	sld [smem:$0x3FB9];
	_ =	sdelay $0x3  }
0x37: {  	[smem:$0x3FB9] =	sst s10  }
0x38: {  	s10 =	sld [smem:$0x3FBA]  }
0x39: {  	_ = 	snop;
	(pc) =	sbr.ind lr, $3  }
0x3a: {  	_ = 	snop  }
0x3b: {  	_ = 	snop  }
0x3c: {  	p2 =	seq.s32 s10, $0x1;
	s10 =	sld [smem:$0x3FB9]  }
0x3d: {  	_ =	shalt  }
0x3e: {  	_ =	shalt  }
0x3f: {  	_ =	shalt  }
0x40: {  	_ =	shalt  }
0x41: {  	_ =	shalt  }
0x42: {  	_ =	shalt  }
0x43: {  	_ =	shalt  }
0x44: {  	_ =	shalt  }
0x45: {  	_ =	shalt  }
0x46: {  	_ =	shalt  }
0x47: {  	_ =	shalt  }
0x48: {  	_ =	shalt  }
0x49: {  	_ =	shalt  }
0x4a: {  	_ =	shalt  }
0x4b: {  	_ =	shalt  }
0x4c: {  	_ =	shalt  }
0x4d: {  	_ =	shalt  }
0x4e: {  	_ =	shalt  }
0x4f: {  	_ =	shalt  }
0x50: {  	_ =	shalt  }
0x51: {  	_ =	shalt  }
0x52: {  	_ =	shalt  }
0x53: {  	_ =	shalt  }
0x54: {  	_ =	shalt  }
0x55: {  	_ =	shalt  }
0x56: {  	_ =	shalt  }
0x57: {  	_ =	shalt  }
0x58: {  	_ =	shalt  }
0x59: {  	_ =	shalt  }
0x5a: {  	_ =	shalt  }
0x5b: {  	_ =	shalt  }
0x5c: {  	_ =	shalt  }
0x5d: {  	_ =	shalt  }
0x5e: {  	_ =	shalt  }
0x5f: {  	_ =	shalt  }
0x60: {  	_ =	shalt  }
0x61: {  	_ =	shalt  }
0x62: {  	_ =	shalt  }
0x63: {  	_ =	shalt  }
0x64: {  	_ =	shalt  }
0x65: {  	_ =	shalt  }
0x66: {  	_ =	shalt  }
0x67: {  	_ =	shalt  }
0x68: {  	_ =	shalt  }
0x69: {  	_ =	shalt  }
0x6a: {  	_ =	shalt  }
0x6b: {  	_ =	shalt  }
0x6c: {  	_ =	shalt  }
0x6d: {  	_ =	shalt  }
0x6e: {  	_ =	shalt  }
0x6f: {  	_ =	shalt  }
0x70: {  	_ =	shalt  }
0x71: {  	_ =	shalt  }
0x72: {  	_ =	shalt  }
0x73: {  	_ =	shalt  }
0x74: {  	_ =	shalt  }
0x75: {  	_ =	shalt  }
0x76: {  	_ =	shalt  }
0x77: {  	_ =	shalt  }
0x78: {  	_ =	shalt  }
0x79: {  	_ =	shalt  }
0x7a: {  	_ =	shalt  }
0x7b: {  	_ =	shalt  }
0x7c: {  	_ =	shalt  }
0x7d: {  	_ =	shalt  }
0x7e: {  	_ =	shalt  }
0x7f: {  	_ =	shalt  }
0x80: {  	_ =	shalt  }
0x81: {  	_ =	shalt  }
0x82: {  	_ =	shalt  }
0x83: {  	_ =	shalt  }
0x84: {  	_ =	shalt  }
0x85: {  	_ =	shalt  }
0x86: {  	_ =	shalt  }
0x87: {  	_ =	shalt  }
.Lfunc_end0:
.L_simem_size_0:
called_computation_lowered:
.L_overlay_start_0:
0x88: {  	s2 =	sld [smem:$0x3FD9]  }
0x89: {  	s3 =	sld [smem:$0x3FFE];
	_ =	sdelay $0x1  }
0x8a: {  	s1 =	srdreg.scid  }
0x8b: {  	s0 =	sand.u32 $0x1, s1  }
0x8c: {  	s15 =	sshll.u32 s0, $0xA;
	s2 =	sadd.s32 s3, s2  }
0x8d: {  	s2 =	sadd.s32 s2, s15  }
0x8e: {  	[smem:$0x3FC5] =	sst s2  }
0x8f: {  	_ = 	snop  }
0x90: {  	s2 =	sld [smem:$0x3FD0]  }
0x91: {  	s16 =	sld [smem:$0x3FC9]  }
0x92: {  	s4 =	sld [smem:$0x3FC8]  }
0x93: {  	s6 =	simm.s32 $0xA;
	s7 =	simm.s32 $0x10;
	s5 =	sld [smem:$0x3FC7]  }
0x94: {  	[smem:s7], [sflag:s6] =	dma.local [hbm:s2], $0x1  }
0x95: {  	_ =	swait.eq [sflag:s6], $0x1  }
0x96: {  	s17 =	sld [smem:$0x10];
	[sflag:s6] =	ssyncset.done $0x0  }
0x97: {  	s18 =	sld [smem:$0x11];
	[sflag:s6] =	ssyncadd.s32 $0xFFFFFFFF  }
0x98: {  	s19 =	sld [smem:$0x12];
	(tm) =	ssettm $0x1  }
0x99: {  	s8 =	sld [smem:$0x3FFB];
	_ =	sdelay $0x3  }
0x9a: {  	_ =	strace s8  }
0x9b: {  	s8 =	sld [smem:$0x3FFC];
	_ =	sdelay $0x3  }
0x9c: {  	_ =	strace s8  }
0x9d: {  	s8 =	sld [smem:$0x3FFD];
	_ =	sdelay $0x3  }
0x9e: {  	_ =	strace s8  }
0x9f: {  	_ =	strace $0x8FFFFFFF  }
0xa0: {  	s20 =	sld [smem:$0x3FDB];
	_ =	sdelay $0x1  }
0xa1: {  	s9 =	simm.s32 $_scs_section_size  }
0xa2: {  	s10 =	simm.s32 $_size__tile_overlayer_lowered;
	s11 =	simm.s32 $_tile_overlayer_lowered  }
0xa3: {  	s23 =	simm.s32 $0x1BFF;
	s22 =	sshll.u32 s11, $0x1;
	s8 =	sadd.s32 s9, s20  }
0xa4: {  	s12 =	simm.s32 $0x0;
	s21 =	sshll.u32 s10, $0x1;
	s10 =	sadd.s32 s22, s8  }
0xa5: {  	[timem:s12], [sflag:s23] =	dma.local [hbm:s10], s21  }
0xa6: {  	_ =	swait.ge [sflag:s23], s21  }
0xa7: {  	s9 =	ssub.s32 $0x0, s21;
	[sflag:s23] =	ssyncset.done $0x0  }
0xa8: {  	[sflag:s23] =	ssyncadd.s32 s9;
	_ =	sdelay $0x1  }
0xa9: {  	s24 =	simm.s32 $0x1B8B  }
0xaa: {  	_ =	swait.ge [sflag:s24], $0x1  }
0xab: {  	[sflag:s24] =	ssyncset.done $0x0  }
0xac: {  	s25 =	simm.s32 $0x1B8E;
	[sflag:s24] =	ssyncadd.s32 $0xFFFFFFFF  }
0xad: {  	s26 =	simm.s32 $execute0_lowered;
	[smem:$0x3FD2] =	sst s25  }
0xae: {  	s9 =	sshll.u32 s26, $0x1;
	_ =	strace $0x80000046;
	[dreg:$0x1] =	wrdreg $0xFFFFFFFF  }
0xaf: {  	s28 =	simm.s32 $_size_execute0_lowered;
	s8 =	sadd.s32 s8, s9;
	[dreg:$0x0] =	wrdreg $0x0  }
0xb0: {  	s9 =	sshll.u32 s28, $0x1;
	[dreg:$0x2] =	wrdreg s8  }
0xb1: {  	[dreg:$0x3] =	wrdreg s9  }
0xb2: {  	[dreg:$0x4] =	wrdreg $0xC0  }
0xb3: {  	_ =	task [dreg:s12], $0x5FFFF  }
0xb4: {  	[dreg:$0x1] =	wrdreg $0xFFFFFFFF  }
0xb5: {  	[dreg:$0x0] =	wrdreg $0x60  }
0xb6: {  	[dreg:$0x2] =	wrdreg s16  }
0xb7: {  	[dreg:$0x3] =	wrdreg s4  }
0xb8: {  	[dreg:$0x4] =	wrdreg s5  }
0xb9: {  	[dreg:$0x5] =	wrdreg s17  }
0xba: {  	[dreg:$0x6] =	wrdreg s18  }
0xbb: {  	[dreg:$0x7] =	wrdreg s19  }
0xbc: {  	[dreg:$0x8] =	wrdreg $0x9  }
0xbd: {  	_ =	task.clear_ibuf [dreg:s12], $0x9FFFF;
	_ =	strace $0x90000046  }
0xbe: {  	s29 =	simm.s32 $0x9;
	_ =	strace $0x8000004F  }
0xbf: {  	_ =	swait.ge [sflag:s29], $0x1  }
0xc0: {  	[sflag:s29] =	ssyncadd.s32 $0xFFFFFFFF  }
0xc1: {  	_ =	strace $0x9000004F  }
0xc2: {  	_ =	sfence  }
0xc3: {  	s30 =	sld [smem:$0x0];
	_ =	sdelay $0x2  }
0xc4: {  	s31 =	sshll.u32 s1, $0xD;
	s1 =	sshrl.u32 s1, $0x2  }
0xc5: {  	s3 =	sand.u32 $0x4000, s31;
	s1 =	sadd.s32 s1, s30  }
0xc6: {  	s0 =	sor.u32 s3, s0;
	s1 =	sshll.u32 s1, $0x11  }
0xc7: {  	s0 =	sor.u32 s1, s0  }
0xc8: {  	s0 =	sadd.s32 $0x8F2B, s0  }
0xc9: {  	[sflag:s0] =	ssyncadd.remote.s32 $0x1  }
0xca: {  	_ =	sfence.sel $0xFFFF  }
0xcb: {  	[dreg:$0x0] =	wrdreg $0xFFFFFFFF;
	(pc) =	sbr.abs _section_cstart, $3  }
0xcc: {  	[dreg:$0x1] =	wrdreg $0xFFFFFFFF  }
0xcd: {  	_ =	task.clear_ibuf [dreg:s12], $0x2FFFF;
	_ =	strace $0x9FFFFFFF  }
0xce: {  	(tm) =	ssettm $0x7FFFFFFF  }
0xcf: {  	_ =	shalt  }
tec
execute0_lowered:
.L_overlay_start_1:
0x0: {  	(tag) =	ssettag $0x1  }
0x1: {  	s2 =	rddreg [dreg:$0x1]  }
0x2: {  	s1 =	rddreg [dreg:$0x3]  }
0x3: {  	s0 =	srdreg.scid;
	s4 =	rddreg [dreg:$0x4]  }
0x4: {  	s14 =	stileid.u32;
	s5 =	rddreg [dreg:$0x5]  }
0x5: {  	s6 =	simm.s32 $0x0;
	s13 =	simm.s32 $0xC30;
	s0 =	sand.u32 $0x1, s0  }
0x6: {  	s3 =	sshll.u32 s14, $0x1;
	[smem:$0x7FF] =	sst s6;
	p0 =	sgt.u32 s14, $0x9  }
0x7: {  	s30 =	smul.u32 $0x1870, s14;
	s3 =	sor.u32 s0, s3;
	s17 =	ssub.s32 $0x2, s0  }
0x8: {  	_ =	strace $0x80000047;
	s7 =	smul.u32 $0xC38, s3;
	s3 =	smax.u32 s3, $0x14  }
0x9: {  	s13 =	simm.s32 @!p0 $0xC38;
	s0 =	smul.u32 $0xC38, s0;
	s8 =	sshll.u32 s3, $0x3  }
0xa: {  	s9 =	sshrl.u32 s17, $0x1;
	v1 =	vmov s13;
	s13 =	simm.s32 $0x1BE80;
	s7 =	ssub.s32 s7, s8  }
0xb: {  	s9 =	ssub.s32 s17, s9;
	s0 =	sadd.s32 s0, s30;
	s10 =	sadd.s32 $0xA0, s7  }
0xc: {  	s9 =	smax.u32 s9, $0x1;
	s3 =	sshll.u32 s10, $0x7;
	s7 =	sshll.u32 s10, $0x4  }
0xd: {  	s31 =	sshrl.u32 s10, $0x3;
	s11 =	sadd.s32 $0x3800, s3;
	s7 =	sadd.s32 s5, s7  }
0xe: {  	s19 =	sadd.s32 $0x7000, s3;
	s20 =	sadd.s32 $0xA800, s3;
	s12 =	sadd.s32 $0xE000, s3  }
0xf: {  	s23 =	sadd.s32 $0x11800, s3;
	s24 =	sadd.s32 $0x15000, s3;
	s25 =	sadd.s32 $0x18800, s3  }
0x10: {  	s29 =	sadd.s32 $0x1C000, s3;
	s15 =	sadd.s32 s1, s31;
	s16 =	sadd.s32 s4, s31  }
0x11: {  	s14 =	sadd.s32 $0x23000, s3;
	s30 =	sadd.s32 $0x3B800, s3;
	s31 =	sadd.s32 $0x3F000, s3  }
0x12: {  	[dreg:$0x7] =	wrdreg s7;
	s18 =	sshrl.u32 s11, $0x3;
	s11 =	sshrl.u32 s20, $0x3  }
0x13: {  	s22 =	sshrl.u32 s12, $0x3;
	s28 =	sshrl.u32 s25, $0x3;
	s12 =	sadd.s32 $0x1F800, s3  }
0x14: {  	s17 =	sshrl.u32 s14, $0x3;
	s14 =	sadd.s32 $0x46000, s3;
	s7 =	sadd.s32 s5, s18  }
0x15: {  	s21 =	sadd.s32 s5, s11;
	s11 =	sshrl.u32 s24, $0x3;
	s1 =	sshrl.u32 s12, $0x3  }
0x16: {  	s18 =	sadd.s32 $0x26800, s3;
	s24 =	sadd.s32 $0x34800, s3;
	[dreg:$0x8] =	wrdreg s7  }
0x17: {  	s12 =	sadd.s32 $0x42800, s3;
	s7 =	sshrl.u32 s19, $0x3;
	[dreg:$0xa] =	wrdreg s21  }
0x18: {  	s26 =	sadd.s32 s5, s11;
	s1 =	sadd.s32 s5, s1;
	s11 =	ssub.s32 s0, s8  }
0x19: {  	s19 =	sadd.s32 $0x2A000, s3;
	s0 =	sshrl.u32 s18, $0x3;
	s18 =	sshrl.u32 s14, $0x3  }
0x1a: {  	s14 =	simm.s32 $0x4000;
	s7 =	sadd.s32 s5, s7;
	[dreg:$0xd] =	wrdreg s26  }
0x1b: {  	[dreg:$0x10] =	wrdreg s1;
	s1 =	sadd.s32 s5, s17;
	s20 =	sshrl.u32 s19, $0x3  }
0x1c: {  	s0 =	sadd.s32 s5, s0;
	s26 =	sshrl.u32 s24, $0x3;
	[dreg:$0x9] =	wrdreg s7  }
0x1d: {  	v0 =	vmov s10;
	s17 =	sadd.s32 $0x49800, s3;
	s10 =	sadd.s32 $0xA0, s11;
	[dreg:$0x11] =	wrdreg s1  }
0x1e: {  	s11 =	simm.s32 $0x11080;
	s7 =	sadd.s32 s5, s22;
	[dreg:$0x12] =	wrdreg s0  }
0x1f: {  	s21 =	sadd.s32 s5, s20;
	s22 =	sadd.s32 $0x2D800, s3;
	s1 =	sshrl.u32 s30, $0x3  }
0x20: {  	s19 =	sshrl.u32 s17, $0x3;
	s17 =	simm.s32 $0x3;
	[dreg:$0xb] =	wrdreg s7  }
0x21: {  	s7 =	sshrl.u32 s23, $0x3;
	[dreg:$0x13] =	wrdreg s21;
	s0 =	sshrl.u32 s22, $0x3  }
0x22: {  	s23 =	sadd.s32 $0x31000, s3;
	s20 =	sadd.s32 s5, s19;
	s21 =	sadd.s32 $0x4D000, s3  }
0x23: {  	s22 =	sadd.s32 $0x50800, s3;
	s19 =	simm.s32 $0x18680;
	s7 =	sadd.s32 s5, s7  }
0x24: {  	s0 =	sadd.s32 s5, s0;
	s25 =	sshrl.u32 s23, $0x3;
	[dreg:$0x1c] =	wrdreg s20  }
0x25: {  	s23 =	sadd.s32 $0x54000, s3;
	s24 =	sshrl.u32 s22, $0x3;
	[dreg:$0xc] =	wrdreg s7  }
0x26: {  	s20 =	simm.s32 $0x0;
	s7 =	sadd.s32 s5, s28;
	[dreg:$0x14] =	wrdreg s0  }
0x27: {  	s0 =	sadd.s32 s5, s25;
	s28 =	sadd.s32 s5, s26;
	[dreg:$0xe] =	wrdreg s7  }
0x28: {  	s25 =	sshrl.u32 s23, $0x3;
	s26 =	sadd.s32 $0x57800, s3;
	[dreg:$0x15] =	wrdreg s0  }
0x29: {  	s7 =	sshrl.u32 s29, $0x3;
	[dreg:$0x16] =	wrdreg s28;
	s29 =	sadd.s32 $0x38000, s3  }
0x2a: {  	s28 =	sadd.s32 $0x5B000, s3;
	s7 =	sadd.s32 s5, s7;
	s0 =	sshrl.u32 s29, $0x3  }
0x2b: {  	s29 =	sadd.s32 $0x5E800, s3;
	s30 =	sshrl.u32 s28, $0x3;
	[dreg:$0xf] =	wrdreg s7  }
0x2c: {  	s0 =	sadd.s32 s5, s0;
	s7 =	sshrl.u32 s31, $0x3;
	s31 =	sshrl.u32 s29, $0x3  }
0x2d: {  	[dreg:$0x17] =	wrdreg s0;
	s0 =	sadd.s32 s5, s1;
	s8 =	sadd.s32 s5, s7  }
0x2e: {  	s1 =	sadd.s32 s5, s25;
	s7 =	sshrl.u32 s26, $0x3;
	[dreg:$0x18] =	wrdreg s0  }
.Ltmp0:
0x2f: {  	[dreg:$0x19] =	wrdreg s8;
	s0 =	sshrl.u32 s12, $0x3;
	(pc) =	sbr.rel .LBB2_1-.Ltmp0, $4  }
0x30: {  	s3 =	sadd.s32 s5, s7;
	s7 =	sadd.s32 s5, s30;
	s0 =	sadd.s32 s5, s0  }
0x31: {  	s8 =	sadd.s32 s5, s31;
	[dreg:$0x1a] =	wrdreg s0;
	s0 =	sadd.s32 s5, s18  }
0x32: {  	v2 =	vimm.f32 $0.0e+00;
	v3 =	vlaneseq.u32;
	s12 =	simm.s32 $0x4;
	[dreg:$0x1b] =	wrdreg s0;
	s0 =	sshrl.u32 s21, $0x3  }
0x33: {  	v4 =	vimm.s32 $0xFFFFFFFF;
	v6 =	vimm.s32 $0x0;
	v5 =	vmul.u32 $0xC40, v3;
	s18 =	simm.s32 $0x70;
	s4 =	sadd.s32 s5, s0;
	s0 =	sadd.s32 s5, s24  }
.LBB2_21:
0x34: {  	_ = 	snop  }
.LBB2_24:
0x35: {  	p2 =	sge.s32 s24, s21;
	[sflag:s26] =	ssyncset.done @p1 $0x0  }
0x36: {  	s21 =	simm.s32 @p2 $0x1;
	[sflag:s26] =	ssyncadd.s32 @p1 $0xFFFFC800  }
0x37: {  	[tilespmem:s19], [sflag:$0x1] =	stream.indirect.gather [hbm4b:s2+s18], $0x80, s23, s18, $0x2000b8;
	[tilespmem:$0x1F680] =	vst v63  }
0x38: {  	_ =	swait.ge @p2 [sflag:s21], $0x3800  }
0x39: {  	s24 =	simm.s32 @!p2 $0x1BE80;
	[sflag:s21] =	ssyncset.done @p2 $0x0  }
0x3a: {  	s25 =	simm.s32 @p2 $0x70;
	s26 =	simm.s32 @p2 $0x18680;
	[sflag:s21] =	ssyncadd.s32 @p2 $0xFFFFC800  }
0x3b: {  	[hbm4b:s5+s25] =	stream.indirect.scatter @p2 [tilespmem:s26], [sflag:$0x1], $0x80, s22, s25, $0x2000b8;
	[tilespmem:$0x1F680] =	vst v63  }
0x3c: {  	s21 =	sadd.s32 @!p2 $0x70, s23;
	s23 =	simm.s32 @!p2 $0x70;
	s25 =	simm.s32 @!p2 $0x1  }
0x3d: {  	[tilespmem:s24], [sflag:$0x2] =	stream.indirect.gather @!p2 [hbm4b:s2+s23], $0x80, s21, s23, $0x2000b8;
	[tilespmem:$0x1F680] =	vst v63  }
0x3e: {  	_ =	swait.ge @!p2 [sflag:s25], $0x3800  }
0x3f: {  	[sflag:s25] =	ssyncset.done @!p2 $0x0  }
0x40: {  	s21 =	simm.s32 @!p2 $0x18680;
	[sflag:s25] =	ssyncadd.s32 @!p2 $0xFFFFC800  }
0x41: {  	[hbm4b:s5+s23] =	stream.indirect.scatter @!p2 [tilespmem:s21], [sflag:$0x1], $0x80, s22, s23, $0x2000b8;
	[tilespmem:$0x1F680] =	vst v63  }
0x42: {  	_ =	swait.ge @!p2 [sflag:s25], $0x3800  }
0x43: {  	[sflag:s25] =	ssyncset.done @!p2 $0x0  }
0x44: {  	s21 =	simm.s32 @!p2 $0x2;
	[sflag:s25] =	ssyncadd.s32 @!p2 $0xFFFFC800  }
0x45: {  	_ =	swait.ge @!p2 [sflag:s21], $0x3800  }
0x46: {  	[sflag:s21] =	ssyncset.done @!p2 $0x0  }
0x47: {  	s22 =	sadd.s32 @!p2 $0x80, s22;
	[sflag:s21] =	ssyncadd.s32 @!p2 $0xFFFFC800;
	s21 =	simm.s32 @p2 $0x1  }
0x48: {  	[hbm4b:s5+s23] =	stream.indirect.scatter @!p2 [tilespmem:s24], [sflag:$0x2], $0x80, s22, s23, $0x2000b8;
	[tilespmem:$0x1F680] =	vst v63  }
0x49: {  	_ =	swait.ge [sflag:s21], $0x3800  }
0x4a: {  	[sflag:s21] =	ssyncset.done $0x0  }
0x4b: {  	[sflag:s21] =	ssyncadd.s32 $0xFFFFC800  }
.LBB2_25:
0x4c: {  	s20 =	sadd.s32 $0x1, s20  }
0x4d: {  	p1 =	sne.s32 s20, s9  }
.Ltmp1:
0x4e: {  	_ = 	snop;
	(pc) =	sbr.rel @!p1 .LBB2_26-.Ltmp1, $2  }
0x4f: {  	_ =	sdelay $0x2  }
0x50: {  	_ =	strace $0x9000004E  }
.LBB2_1:
0x51: {  	s21 =	rddreg [dreg:$0x0]  }
0x52: {  	[tilespmem:s6], [sflag:$0x4] =	stream.linear.gather [hbm4b:s21+s6], $0x4000, $0x38;
	[tilespmem:$0x1F680] =	vst v63  }
0x53: {  	s31 =	rddreg [dreg:$0x2]  }
0x54: {  	[tilespmem:s11], [sflag:$0x4] =	stream.linear.gather [hbm4b:s31+s6], $0x4080, $0x38;
	[tilespmem:$0x1F680] =	vst v63  }
0x55: {  	s22 =	simm.s32 $0x200;
	s21 =	simm.s32 $0x0;
	_ =	strace $0x80000048  }
.LBB2_2:
0x56: {  	p1 =	sne.s32 s22, $0xDE00;
	[tilespmem:s21+$0x1BEF0] =	vst v2  }
0x57: {  	[tilespmem:s21+$0x1BE80] =	vst v2  }
0x58: {  	[tilespmem:s21+$0x1BE90] =	vst v2  }
.Ltmp2:
0x59: {  	[tilespmem:s21+$0x1BEA0] =	vst v2;
	(pc) =	sbr.rel @p1 .LBB2_2-.Ltmp2, $4  }
0x5a: {  	[tilespmem:s21+$0x1BEB0] =	vst v2  }
0x5b: {  	[tilespmem:s21+$0x1BEC0] =	vst v2  }
0x5c: {  	[tilespmem:s21+$0x1BED0] =	vst v2  }
0x5d: {  	[tilespmem:s21+$0x1BEE0] =	vst v2;
	s21 =	sshra.s32 s22, $0x2;
	s22 =	sadd.s32 $0x200, s22  }
0x5e: {  	[tilespmem:s21+$0x1BEF0] =	vst v2  }
0x5f: {  	[tilespmem:s21+$0x1BE80] =	vst v2  }
0x60: {  	[tilespmem:s21+$0x1BE90] =	vst v2  }
0x61: {  	[tilespmem:s21+$0x1BEA0] =	vst v2  }
0x62: {  	[tilespmem:s21+$0x1BEB0] =	vst v2  }
0x63: {  	[tilespmem:s21+$0x1BEC0] =	vst v2  }
0x64: {  	[tilespmem:s21+$0x1BED0] =	vst v2  }
0x65: {  	[tilespmem:s21+$0x1BEE0] =	vst v2  }
0x66: {  	_ =	strace $0x90000048  }
0x67: {  	s21 =	simm.s32 $0x0;
	s22 =	simm.s32 $0x200;
	_ =	strace $0x80000049  }
.LBB2_4:
0x68: {  	p1 =	sne.s32 s22, $0x30E00;
	[tilespmem:s21+$0x4070] =	vst v4  }
0x69: {  	[tilespmem:s21+$0x4000] =	vst v4  }
0x6a: {  	[tilespmem:s21+$0x4010] =	vst v4  }
.Ltmp3:
0x6b: {  	[tilespmem:s21+$0x4020] =	vst v4;
	(pc) =	sbr.rel @p1 .LBB2_4-.Ltmp3, $4  }
0x6c: {  	[tilespmem:s21+$0x4030] =	vst v4  }
0x6d: {  	[tilespmem:s21+$0x4040] =	vst v4  }
0x6e: {  	[tilespmem:s21+$0x4050] =	vst v4  }
0x6f: {  	[tilespmem:s21+$0x4060] =	vst v4;
	s21 =	sshra.s32 s22, $0x2;
	s22 =	sadd.s32 $0x200, s22  }
0x70: {  	[tilespmem:s21+$0x4070] =	vst v4  }
0x71: {  	[tilespmem:s21+$0x4000] =	vst v4  }
0x72: {  	[tilespmem:s21+$0x4010] =	vst v4  }
0x73: {  	[tilespmem:s21+$0x4020] =	vst v4  }
0x74: {  	[tilespmem:s21+$0x4030] =	vst v4  }
0x75: {  	[tilespmem:s21+$0x4040] =	vst v4  }
0x76: {  	[tilespmem:s21+$0x4050] =	vst v4  }
0x77: {  	[tilespmem:s21+$0x4060] =	vst v4  }
0x78: {  	_ =	swait.ge [sflag:s12], $0x4000  }
0x79: {  	[sflag:s12] =	ssyncset.done $0x0  }
0x7a: {  	[sflag:s12] =	ssyncadd.s32 $0xFFFFC000  }
0x7b: {  	_ =	swait.ge [sflag:s12], $0x4080  }
0x7c: {  	[sflag:s12] =	ssyncset.done $0x0  }
0x7d: {  	[sflag:s12] =	ssyncadd.s32 $0xFFFFBF80  }
0x7e: {  	_ =	strace $0x90000049  }
0x7f: {  	_ =	strace $0x8000004A  }
0x80: {  	s28 =	rddreg [dreg:$0x7]  }
0x81: {  	[hbm4b:s28+s6] =	stream.linear.scatter [tilespmem:s13], [sflag:$0x3], $0x3800, $0x200038;
	[tilespmem:$0x1F680] =	vst v63  }
0x82: {  	s29 =	rddreg [dreg:$0x8]  }
0x83: {  	[hbm4b:s29+s6] =	stream.linear.scatter [tilespmem:s13], [sflag:$0x3], $0x3800, $0x200038;
	[tilespmem:$0x1F680] =	vst v63  }
0x84: {  	s30 =	rddreg [dreg:$0x9]  }
0x85: {  	[hbm4b:s30+s6] =	stream.linear.scatter [tilespmem:s13], [sflag:$0x3], $0x3800, $0x200038;
	[tilespmem:$0x1F680] =	vst v63  }
0x86: {  	s31 =	rddreg [dreg:$0xa]  }
0x87: {  	[hbm4b:s31+s6] =	stream.linear.scatter [tilespmem:s13], [sflag:$0x3], $0x3800, $0x200038;
	[tilespmem:$0x1F680] =	vst v63  }
0x88: {  	s22 =	rddreg [dreg:$0xb]  }
0x89: {  	[hbm4b:s22+s6] =	stream.linear.scatter [tilespmem:s13], [sflag:$0x3], $0x3800, $0x200038;
	[tilespmem:$0x1F680] =	vst v63  }
0x8a: {  	s23 =	rddreg [dreg:$0xc]  }
0x8b: {  	[hbm4b:s23+s6] =	stream.linear.scatter [tilespmem:s13], [sflag:$0x3], $0x3800, $0x200038;
	[tilespmem:$0x1F680] =	vst v63  }
0x8c: {  	s24 =	rddreg [dreg:$0xd]  }
0x8d: {  	[hbm4b:s24+s6] =	stream.linear.scatter [tilespmem:s13], [sflag:$0x3], $0x3800, $0x200038;
	[tilespmem:$0x1F680] =	vst v63  }
0x8e: {  	s25 =	rddreg [dreg:$0xe]  }
0x8f: {  	[hbm4b:s25+s6] =	stream.linear.scatter [tilespmem:s13], [sflag:$0x3], $0x3800, $0x200038;
	[tilespmem:$0x1F680] =	vst v63  }
0x90: {  	s26 =	rddreg [dreg:$0xf]  }
0x91: {  	[hbm4b:s26+s6] =	stream.linear.scatter [tilespmem:s13], [sflag:$0x3], $0x3800, $0x200038;
	[tilespmem:$0x1F680] =	vst v63  }
0x92: {  	s28 =	rddreg [dreg:$0x10]  }
0x93: {  	[hbm4b:s28+s6] =	stream.linear.scatter [tilespmem:s13], [sflag:$0x3], $0x3800, $0x200038;
	[tilespmem:$0x1F680] =	vst v63  }
0x94: {  	s29 =	rddreg [dreg:$0x11]  }
0x95: {  	[hbm4b:s29+s6] =	stream.linear.scatter [tilespmem:s13], [sflag:$0x3], $0x3800, $0x200038;
	[tilespmem:$0x1F680] =	vst v63  }
0x96: {  	s30 =	rddreg [dreg:$0x12]  }
0x97: {  	[hbm4b:s30+s6] =	stream.linear.scatter [tilespmem:s13], [sflag:$0x3], $0x3800, $0x200038;
	[tilespmem:$0x1F680] =	vst v63  }
0x98: {  	s31 =	rddreg [dreg:$0x13]  }
0x99: {  	[hbm4b:s31+s6] =	stream.linear.scatter [tilespmem:s13], [sflag:$0x3], $0x3800, $0x200038;
	[tilespmem:$0x1F680] =	vst v63  }
0x9a: {  	s22 =	rddreg [dreg:$0x14]  }
0x9b: {  	[hbm4b:s22+s6] =	stream.linear.scatter [tilespmem:s13], [sflag:$0x3], $0x3800, $0x200038;
	[tilespmem:$0x1F680] =	vst v63  }
0x9c: {  	s23 =	rddreg [dreg:$0x15]  }
0x9d: {  	[hbm4b:s23+s6] =	stream.linear.scatter [tilespmem:s13], [sflag:$0x3], $0x3800, $0x200038;
	[tilespmem:$0x1F680] =	vst v63  }
0x9e: {  	s24 =	rddreg [dreg:$0x16]  }
0x9f: {  	[hbm4b:s24+s6] =	stream.linear.scatter [tilespmem:s13], [sflag:$0x3], $0x3800, $0x200038;
	[tilespmem:$0x1F680] =	vst v63  }
0xa0: {  	s25 =	rddreg [dreg:$0x17]  }
0xa1: {  	[hbm4b:s25+s6] =	stream.linear.scatter [tilespmem:s13], [sflag:$0x3], $0x3800, $0x200038;
	[tilespmem:$0x1F680] =	vst v63  }
0xa2: {  	s26 =	rddreg [dreg:$0x18]  }
0xa3: {  	[hbm4b:s26+s6] =	stream.linear.scatter [tilespmem:s13], [sflag:$0x3], $0x3800, $0x200038;
	[tilespmem:$0x1F680] =	vst v63  }
0xa4: {  	s28 =	rddreg [dreg:$0x19]  }
0xa5: {  	[hbm4b:s28+s6] =	stream.linear.scatter [tilespmem:s13], [sflag:$0x3], $0x3800, $0x200038;
	[tilespmem:$0x1F680] =	vst v63  }
0xa6: {  	s29 =	rddreg [dreg:$0x1a]  }
0xa7: {  	[hbm4b:s29+s6] =	stream.linear.scatter [tilespmem:s13], [sflag:$0x3], $0x3800, $0x200038;
	[tilespmem:$0x1F680] =	vst v63  }
0xa8: {  	s30 =	rddreg [dreg:$0x1b]  }
0xa9: {  	[hbm4b:s30+s6] =	stream.linear.scatter [tilespmem:s13], [sflag:$0x3], $0x3800, $0x200038;
	[tilespmem:$0x1F680] =	vst v63  }
0xaa: {  	s31 =	rddreg [dreg:$0x1c]  }
0xab: {  	[hbm4b:s31+s6] =	stream.linear.scatter [tilespmem:s13], [sflag:$0x3], $0x3800, $0x200038;
	[tilespmem:$0x1F680] =	vst v63  }
0xac: {  	_ = 	snop  }
0xad: {  	[hbm4b:s4+s6] =	stream.linear.scatter [tilespmem:s13], [sflag:$0x3], $0x3800, $0x200038;
	[tilespmem:$0x1F680] =	vst v63  }
0xae: {  	_ = 	snop  }
0xaf: {  	[hbm4b:s0+s6] =	stream.linear.scatter [tilespmem:s13], [sflag:$0x3], $0x3800, $0x200038;
	[tilespmem:$0x1F680] =	vst v63  }
0xb0: {  	_ = 	snop  }
0xb1: {  	[hbm4b:s1+s6] =	stream.linear.scatter [tilespmem:s13], [sflag:$0x3], $0x3800, $0x200038;
	[tilespmem:$0x1F680] =	vst v63  }
0xb2: {  	_ = 	snop  }
0xb3: {  	[hbm4b:s3+s6] =	stream.linear.scatter [tilespmem:s13], [sflag:$0x3], $0x3800, $0x200038;
	[tilespmem:$0x1F680] =	vst v63  }
0xb4: {  	_ = 	snop  }
0xb5: {  	[hbm4b:s7+s6] =	stream.linear.scatter [tilespmem:s13], [sflag:$0x3], $0x3800, $0x200038;
	[tilespmem:$0x1F680] =	vst v63  }
0xb6: {  	s21 =	simm.s32 @p0 $0x0;
	s22 =	simm.s32 @p0 $0x1BE80  }
0xb7: {  	[hbm4b:s8+s21] =	stream.linear.scatter @p0 [tilespmem:s22], [sflag:$0x3], $0x3000, $0x200038;
	[tilespmem:$0x1F680] =	vst v63  }
0xb8: {  	s21 =	simm.s32 @p0 $0x3  }
0xb9: {  	_ =	swait.ge @p0 [sflag:s21], $0x3000  }
0xba: {  	[sflag:s21] =	ssyncset.done @p0 $0x0  }
0xbb: {  	s22 =	simm.s32 @!p0 $0x1BE80;
	[sflag:s21] =	ssyncadd.s32 @p0 $0xFFFFD000;
	s21 =	simm.s32 @!p0 $0x0  }
0xbc: {  	[hbm4b:s8+s21] =	stream.linear.scatter @!p0 [tilespmem:s22], [sflag:$0x3], $0x3400, $0x200038;
	[tilespmem:$0x1F680] =	vst v63  }
0xbd: {  	s21 =	simm.s32 @!p0 $0x3  }
0xbe: {  	_ =	swait.ge @!p0 [sflag:s21], $0x3400  }
0xbf: {  	[sflag:s21] =	ssyncset.done @!p0 $0x0  }
0xc0: {  	[sflag:s21] =	ssyncadd.s32 @!p0 $0xFFFFCC00  }
0xc1: {  	_ =	strace $0x9000004A  }
0xc2: {  	s22 =	simm.s32 $0x20;
	s21 =	simm.s32 $0x0;
	_ =	strace $0x8000004B  }
.LBB2_6:
0xc3: {  	v7 =	vld [tilespmem:s22+$0xFFFFFFE0];
	_ =	sdelay $0x4  }
0xc4: {  	v7 =	vsub.s32 v7, v0  }
0xc5: {  	vm0 =	vgt.s32 v7, $0xFFFFFFFF;
	vm1 =	vlt.s32 v7, v1  }
0xc6: {  	v7 =	vadd.s32 v5, v7;
	vm0 =	vmand vm0, vm1  }
0xc7: {  	v7 =	vsel vm0, v7, v5;
	_ =	sdelay $0x3  }
0xc8: {  	v8 =	vor.u32 s21, v3  }
0xc9: {  	[tilespmem:v7+s14+$0x0] =	vst.idx.msk vm0, v8  }
0xca: {  	v7 =	vld [tilespmem:s22+$0xFFFFFFF0];
	_ =	sdelay $0x4  }
0xcb: {  	v7 =	vsub.s32 v7, v0  }
0xcc: {  	vm10 =	vgt.s32 v7, $0xFFFFFFFF;
	vm11 =	vlt.s32 v7, v1  }
0xcd: {  	v7 =	vadd.s32 v5, v7;
	vm0 =	vmand vm10, vm11  }
0xce: {  	v7 =	vsel vm0, v7, v5;
	_ =	sdelay $0x2  }
0xcf: {  	s23 =	sadd.s32 $0x10, s21  }
0xd0: {  	v8 =	vor.u32 s23, v3  }
0xd1: {  	[tilespmem:v7+s14+$0x0] =	vst.idx.msk vm0, v8  }
0xd2: {  	v7 =	vld [tilespmem:s22+$0x0];
	_ =	sdelay $0x4  }
0xd3: {  	v7 =	vsub.s32 v7, v0  }
0xd4: {  	vm12 =	vgt.s32 v7, $0xFFFFFFFF;
	vm13 =	vlt.s32 v7, v1  }
0xd5: {  	v7 =	vadd.s32 v5, v7;
	vm0 =	vmand vm12, vm13  }
0xd6: {  	v7 =	vsel vm0, v7, v5;
	_ =	sdelay $0x2  }
0xd7: {  	s30 =	sadd.s32 $0x20, s21  }
0xd8: {  	v8 =	vor.u32 s30, v3  }
0xd9: {  	[tilespmem:v7+s14+$0x0] =	vst.idx.msk vm0, v8  }
0xda: {  	v7 =	vld [tilespmem:s22+$0x10];
	_ =	sdelay $0x4  }
0xdb: {  	v7 =	vsub.s32 v7, v0  }
0xdc: {  	vm14 =	vgt.s32 v7, $0xFFFFFFFF;
	vm15 =	vlt.s32 v7, v1  }
0xdd: {  	v7 =	vadd.s32 v5, v7;
	vm0 =	vmand vm14, vm15  }
0xde: {  	p1 =	sne.s32 s21, $0x3FC0;
	v7 =	vsel vm0, v7, v5  }
.Ltmp4:
0xdf: {  	_ = 	snop;
	(pc) =	sbr.rel @p1 .LBB2_6-.Ltmp4, $4  }
0xe0: {  	_ = 	snop  }
0xe1: {  	s31 =	sadd.s32 $0x30, s21  }
0xe2: {  	v8 =	vor.u32 s31, v3  }
0xe3: {  	s21 =	sadd.s32 $0x40, s21;
	s22 =	sadd.s32 $0x40, s22;
	[tilespmem:v7+s14+$0x0] =	vst.idx.msk vm0, v8  }
0xe4: {  	_ =	strace $0x9000004B  }
0xe5: {  	s23 =	simm.s32 $0x0;
	_ =	strace $0x8000004C  }
0xe6: {  	v7 =	vld [tilespmem:s23+$0x4C40]  }
0xe7: {  	s21 =	simm.s32 $0x0;
	v8 =	vld [tilespmem:s23+$0x4000]  }
0xe8: {  	s22 =	sand.u32 $0xFF0, s21  }
0xe9: {  	v9 =	vld [tilespmem:s22+$0x5880];
	_ =	sdelay $0x1  }
0xea: {  	v10 =	vld [tilespmem:s23+$0x64C0]  }
0xeb: {  	vm0 =	vgt.s32 v8, v7  }
0xec: {  	v11 =	vld [tilespmem:s22+$0x7100];
	v7 =	vsel vm0, v8, v7  }
0xed: {  	vm0 =	vgt.s32 v7, v9  }
0xee: {  	v8 =	vld [tilespmem:s23+$0x7D40];
	v7 =	vsel vm0, v7, v9  }
0xef: {  	vm0 =	vgt.s32 v7, v10  }
0xf0: {  	v9 =	vld [tilespmem:s22+$0x8980];
	v7 =	vsel vm0, v7, v10  }
0xf1: {  	vm0 =	vgt.s32 v7, v11  }
0xf2: {  	v10 =	vld [tilespmem:s23+$0x95C0];
	v7 =	vsel vm0, v7, v11  }
0xf3: {  	vm0 =	vgt.s32 v7, v8  }
0xf4: {  	v11 =	vld [tilespmem:s22+$0xA200];
	v7 =	vsel vm0, v7, v8  }
0xf5: {  	vm0 =	vgt.s32 v7, v9  }
0xf6: {  	v8 =	vld [tilespmem:s23+$0xAE40];
	v7 =	vsel vm0, v7, v9  }
0xf7: {  	vm0 =	vgt.s32 v7, v10  }
0xf8: {  	v9 =	vld [tilespmem:s22+$0xBA80];
	v7 =	vsel vm0, v7, v10  }
0xf9: {  	vm0 =	vgt.s32 v7, v11  }
0xfa: {  	v10 =	vld [tilespmem:s23+$0xC6C0];
	v7 =	vsel vm0, v7, v11  }
0xfb: {  	vm0 =	vgt.s32 v7, v8  }
0xfc: {  	v11 =	vld [tilespmem:s22+$0xD300];
	v7 =	vsel vm0, v7, v8  }
0xfd: {  	vm0 =	vgt.s32 v7, v9  }
0xfe: {  	v8 =	vld [tilespmem:s23+$0xDF40];
	v7 =	vsel vm0, v7, v9  }
0xff: {  	vm0 =	vgt.s32 v7, v10  }
0x100: {  	v9 =	vld [tilespmem:s22+$0xEB80];
	v7 =	vsel vm0, v7, v10  }
0x101: {  	vm0 =	vgt.s32 v7, v11  }
0x102: {  	v10 =	vld [tilespmem:s23+$0xF7C0];
	v7 =	vsel vm0, v7, v11  }
0x103: {  	vm0 =	vgt.s32 v7, v8  }
0x104: {  	v7 =	vsel vm0, v7, v8  }
0x105: {  	vm0 =	vgt.s32 v7, v9  }
0x106: {  	v7 =	vsel vm0, v7, v9  }
0x107: {  	vm0 =	vgt.s32 v7, v10  }
0x108: {  	v7 =	vsel vm0, v7, v10  }
0x109: {  	vm0 =	vgt.s32 v7, $0xFFFFFFFF  }
0x10a: {  	v9 =	vmpcnt.ones.xlane vm0  }
0x10b: {  	v8 =	vnsel vm0, $0x4000, v7  }
0x10c: {  	(v2sf) =	vpush v9, $0x0;
	_ =	sdelay $0x1  }
0x10d: {  	v10 =	vsel vm0, $0x1, v6  }
0x10e: {  	[tilespmem:s23+$0x10400] =	vst v10  }
0x10f: {  	v8 =	vld.idx.msk [tilespmem:v8+s11+$0x0], $0xffff;
	_ =	sdelay $0x2  }
0x110: {  	s24 =	simm.s32 $0x40;
	s25 =	simm.s32 $0x80;
	s22 =	simm.s32 $0x0  }
.LBB2_8:
0x111: {  	p1 =	sne.s32 s25, $0x30C0  }
0x112: {  	[tilespmem:s23+$0x15100] =	vst v8;
	s23 =	sadd.s32 s21, s10  }
0x113: {  	[tilespmem:s22+$0x15D80] =	vst.msk vm0, v7;
	v7 =	vadd.s32 s23, v3  }
0x114: {  	s23 =	sshra.s32 s24, $0x2;
	s24 =	smov.u32 s25;
	[tilespmem:s22+$0x16A00] =	vst.msk vm0, v7  }
0x115: {  	s21 =	sadd.s32 $0x10, s21;
	v7 =	vld [tilespmem:s23+$0x4C40]  }
0x116: {  	s26 =	sand.u32 $0xFF0, s21;
	v8 =	vld [tilespmem:s23+$0x4000]  }
0x117: {  	v9 =	vld [tilespmem:s26+$0x5880]  }
0x118: {  	v10 =	vld [tilespmem:s26+$0x7100];
	s28 =	spop (v2sf)  }
0x119: {  	v11 =	vld [tilespmem:s26+$0x8980];
	s22 =	sadd.s32 s22, s28  }
0x11a: {  	v12 =	vld [tilespmem:s23+$0x64C0]  }
0x11b: {  	vm0 =	vgt.s32 v8, v7;
	v13 =	vld [tilespmem:s26+$0xA200]  }
0x11c: {  	v7 =	vsel vm0, v8, v7;
	v8 =	vld [tilespmem:s26+$0xBA80]  }
0x11d: {  	vm0 =	vgt.s32 v7, v9;
	v14 =	vld [tilespmem:s26+$0xD300]  }
0x11e: {  	v7 =	vsel vm0, v7, v9;
	v9 =	vld [tilespmem:s23+$0x7D40]  }
0x11f: {  	vm0 =	vgt.s32 v7, v12;
	v15 =	vld [tilespmem:s26+$0xEB80]  }
0x120: {  	v7 =	vsel vm0, v7, v12  }
0x121: {  	vm0 =	vgt.s32 v7, v10  }
0x122: {  	v7 =	vsel vm0, v7, v10;
	v10 =	vld [tilespmem:s23+$0x95C0]  }
0x123: {  	vm0 =	vgt.s32 v7, v9  }
0x124: {  	v7 =	vsel vm0, v7, v9  }
0x125: {  	vm0 =	vgt.s32 v7, v11  }
0x126: {  	v7 =	vsel vm0, v7, v11;
	v9 =	vld [tilespmem:s23+$0xAE40]  }
0x127: {  	vm0 =	vgt.s32 v7, v10  }
0x128: {  	v7 =	vsel vm0, v7, v10  }
0x129: {  	vm0 =	vgt.s32 v7, v13  }
0x12a: {  	v7 =	vsel vm0, v7, v13;
	v10 =	vld [tilespmem:s23+$0xC6C0]  }
0x12b: {  	vm0 =	vgt.s32 v7, v9  }
0x12c: {  	v7 =	vsel vm0, v7, v9  }
0x12d: {  	vm0 =	vgt.s32 v7, v8  }
0x12e: {  	v7 =	vsel vm0, v7, v8;
	v8 =	vld [tilespmem:s23+$0xDF40]  }
0x12f: {  	vm0 =	vgt.s32 v7, v10  }
0x130: {  	v7 =	vsel vm0, v7, v10  }
0x131: {  	vm0 =	vgt.s32 v7, v14  }
0x132: {  	v7 =	vsel vm0, v7, v14;
	v9 =	vld [tilespmem:s23+$0xF7C0]  }
0x133: {  	vm0 =	vgt.s32 v7, v8  }
0x134: {  	v7 =	vsel vm0, v7, v8  }
0x135: {  	vm0 =	vgt.s32 v7, v15  }
0x136: {  	v7 =	vsel vm0, v7, v15  }
0x137: {  	vm0 =	vgt.s32 v7, v9  }
0x138: {  	v7 =	vsel vm0, v7, v9  }
0x139: {  	vm0 =	vgt.s32 v7, $0xFFFFFFFF  }
0x13a: {  	v8 =	vnsel vm0, $0x4000, v7;
	v9 =	vmpcnt.ones.xlane vm0;
	_ =	sdelay $0x1  }
0x13b: {  	(v2sf) =	vpush v9, $0x0  }
0x13c: {  	v9 =	vsel vm0, $0x1, v6  }
0x13d: {  	[tilespmem:s23+$0x10400] =	vst v9  }
.Ltmp5:
0x13e: {  	v8 =	vld.idx.msk [tilespmem:v8+s11+$0x0], $0xffff;
	(pc) =	sbr.rel @p1 .LBB2_8-.Ltmp5, $2  }
0x13f: {  	_ =	sdelay $0x2  }
0x140: {  	s25 =	sadd.s32 $0x40, s25  }
0x141: {  	[tilespmem:s23+$0x15100] =	vst v8;
	s25 =	sadd.s32 s21, s10  }
0x142: {  	[tilespmem:s22+$0x15D80] =	vst.msk vm0, v7;
	v7 =	vadd.s32 s25, v3  }
0x143: {  	s26 =	sshra.s32 s24, $0x2;
	[tilespmem:s22+$0x16A00] =	vst.msk vm0, v7  }
0x144: {  	v7 =	vld [tilespmem:s26+$0x4C40]  }
0x145: {  	s28 =	sadd.s32 $0x10, s21;
	v8 =	vld [tilespmem:s26+$0x4000]  }
0x146: {  	s29 =	sand.u32 $0xFF0, s28  }
0x147: {  	v9 =	vld [tilespmem:s29+$0x5880];
	_ =	sdelay $0x1  }
0x148: {  	v10 =	vld [tilespmem:s26+$0x64C0]  }
0x149: {  	vm14 =	vgt.s32 v8, v7  }
0x14a: {  	v11 =	vld [tilespmem:s29+$0x7100];
	v7 =	vsel vm14, v8, v7  }
0x14b: {  	vm0 =	vgt.s32 v7, v9  }
0x14c: {  	v8 =	vld [tilespmem:s26+$0x7D40];
	v7 =	vsel vm0, v7, v9  }
0x14d: {  	vm0 =	vgt.s32 v7, v10  }
0x14e: {  	v9 =	vld [tilespmem:s29+$0x8980];
	v7 =	vsel vm0, v7, v10  }
0x14f: {  	vm0 =	vgt.s32 v7, v11  }
0x150: {  	v10 =	vld [tilespmem:s26+$0x95C0];
	v7 =	vsel vm0, v7, v11  }
0x151: {  	vm0 =	vgt.s32 v7, v8  }
0x152: {  	v11 =	vld [tilespmem:s29+$0xA200];
	v7 =	vsel vm0, v7, v8  }
0x153: {  	vm0 =	vgt.s32 v7, v9  }
0x154: {  	v8 =	vld [tilespmem:s26+$0xAE40];
	v7 =	vsel vm0, v7, v9  }
0x155: {  	vm0 =	vgt.s32 v7, v10  }
0x156: {  	v9 =	vld [tilespmem:s29+$0xBA80];
	v7 =	vsel vm0, v7, v10  }
0x157: {  	vm0 =	vgt.s32 v7, v11  }
0x158: {  	v10 =	vld [tilespmem:s26+$0xC6C0];
	v7 =	vsel vm0, v7, v11  }
0x159: {  	vm0 =	vgt.s32 v7, v8  }
0x15a: {  	v11 =	vld [tilespmem:s29+$0xD300];
	v7 =	vsel vm0, v7, v8  }
0x15b: {  	vm0 =	vgt.s32 v7, v9  }
0x15c: {  	v8 =	vld [tilespmem:s26+$0xDF40];
	v7 =	vsel vm0, v7, v9  }
0x15d: {  	vm0 =	vgt.s32 v7, v10  }
0x15e: {  	v9 =	vld [tilespmem:s29+$0xEB80];
	v7 =	vsel vm0, v7, v10  }
0x15f: {  	vm0 =	vgt.s32 v7, v11  }
0x160: {  	v10 =	vld [tilespmem:s26+$0xF7C0];
	v7 =	vsel vm0, v7, v11  }
0x161: {  	vm0 =	vgt.s32 v7, v8  }
0x162: {  	v7 =	vsel vm0, v7, v8  }
0x163: {  	vm0 =	vgt.s32 v7, v9  }
0x164: {  	v7 =	vsel vm0, v7, v9  }
0x165: {  	vm0 =	vgt.s32 v7, v10  }
0x166: {  	v7 =	vsel vm0, v7, v10  }
0x167: {  	vm0 =	vgt.s32 v7, $0xFFFFFFFF  }
0x168: {  	v8 =	vmpcnt.ones.xlane vm0;
	_ =	sdelay $0x1  }
0x169: {  	(v2sf) =	vpush v8, $0x0  }
0x16a: {  	v8 =	vnsel vm0, $0x4000, v7;
	_ =	sdelay $0x2  }
0x16b: {  	v9 =	vsel vm0, $0x1, v6  }
0x16c: {  	[tilespmem:s26+$0x10400] =	vst v9  }
0x16d: {  	v8 =	vld.idx.msk [tilespmem:v8+s11+$0x0], $0xffff;
	_ =	sdelay $0x3  }
0x16e: {  	s30 =	spop (v2sf)  }
0x16f: {  	s21 =	sadd.s32 s28, s10;
	s31 =	sadd.s32 s22, s30;
	[tilespmem:s26+$0x15100] =	vst v8  }
0x170: {  	[tilespmem:s31+$0x15D80] =	vst.msk vm0, v7;
	v7 =	vadd.s32 s21, v3  }
0x171: {  	s23 =	simm.s32 @p0 $0x10400;
	s21 =	simm.s32 @p0 $0x0;
	[tilespmem:s31+$0x16A00] =	vst.msk vm0, v7  }
0x172: {  	[hbm4b:s15+s21] =	stream.linear.scatter @p0 [tilespmem:s23], [sflag:$0x5], $0xC30, $0x200038;
	[tilespmem:$0x1F680] =	vst v63  }
0x173: {  	s24 =	simm.s32 @p0 $0x5;
	s26 =	spop (v2sf)  }
0x174: {  	_ =	swait.ge @p0 [sflag:s24], $0xC30  }
0x175: {  	[sflag:s24] =	ssyncset.done @p0 $0x0  }
0x176: {  	s25 =	simm.s32 @p0 $0x15100;
	[sflag:s24] =	ssyncadd.s32 @p0 $0xFFFFF3D0  }
0x177: {  	[hbm4b:s16+s21] =	stream.linear.scatter @p0 [tilespmem:s25], [sflag:$0x5], $0xC30, $0x200038;
	[tilespmem:$0x1F680] =	vst v63  }
0x178: {  	_ =	swait.ge @p0 [sflag:s24], $0xC30  }
0x179: {  	[sflag:s24] =	ssyncset.done @p0 $0x0  }
0x17a: {  	s21 =	simm.s32 @!p0 $0x0;
	[sflag:s24] =	ssyncadd.s32 @p0 $0xFFFFF3D0;
	s24 =	simm.s32 @!p0 $0x10400  }
0x17b: {  	[hbm4b:s15+s21] =	stream.linear.scatter @!p0 [tilespmem:s24], [sflag:$0x5], $0xC38, $0x200038;
	[tilespmem:$0x1F680] =	vst v63  }
0x17c: {  	s24 =	simm.s32 @!p0 $0x5  }
0x17d: {  	_ =	swait.ge @!p0 [sflag:s24], $0xC38  }
0x17e: {  	[sflag:s24] =	ssyncset.done @!p0 $0x0  }
0x17f: {  	s23 =	simm.s32 @!p0 $0x15100;
	s22 =	sadd.s32 s31, s26;
	[sflag:s24] =	ssyncadd.s32 @!p0 $0xFFFFF3C8  }
0x180: {  	[hbm4b:s16+s21] =	stream.linear.scatter @!p0 [tilespmem:s23], [sflag:$0x5], $0xC38, $0x200038;
	[tilespmem:$0x1F680] =	vst v63  }
0x181: {  	s21 =	sadd.s32 $0x6F, s22  }
0x182: {  	s28 =	smulhi.u32 $0x92492493, s21;
	s29 =	sshra.s32 s21, $0x1F  }
0x183: {  	s26 =	ssub.s32 $0xFFFFFF91, s22;
	s31 =	sand.u32 $0xF, s22;
	s25 =	smul.u32 $0x92492493, s29  }
0x184: {  	p1 =	slt.s32 s22, $0x1;
	p2 =	sne.s32 s31, $0x0;
	s23 =	sadd.s32 s26, s28  }
0x185: {  	p1 =	por !p1, !p2;
	s23 =	sadd.s32 s25, s23  }
0x186: {  	p1 =	por !p1, !p1;
	s23 =	sadd.s32 s21, s23  }
0x187: {  	_ =	swait.ge @!p0 [sflag:s24], $0xC38;
	s30 =	sshrl.u32 s23, $0x1F;
	s23 =	sshra.s32 s23, $0x6  }
0x188: {  	p5 =	slt.s32 s21, $0x1;
	[sflag:s24] =	ssyncset.done @!p0 $0x0;
	s23 =	sadd.s32 s30, s23  }
0x189: {  	[sflag:s24] =	ssyncadd.s32 @!p0 $0xFFFFF3C8;
	s28 =	sshra.s32 s22, $0x1F;
	s30 =	smul.u32 $0xFFFFFF90, s23  }
0x18a: {  	_ =	strace $0x9000004C;
	s29 =	sshrl.u32 s28, $0x1C;
	s25 =	simm.s32 $0x1  }
0x18b: {  	_ =	strace $0x8000004D;
	s24 =	sadd.s32 s29, s22;
	p6 =	sne.s32 s30, s26  }
0x18c: {  	s25 =	simm.s32 @!p1 $0x0;
	s24 =	sshrl.u32 s24, $0x4;
	p1 =	por !p5, !p6  }
0x18d: {  	s21 =	simm.s32 $0x1;
	s24 =	ssub.s32 s24, s25;
	p1 =	por !p1, !p1  }
0x18e: {  	v7 =	vld.msk [tilespmem:$0x15D80 ss:$0x0], $0xffff;
	s24 =	sshll.u32 s24, $0x4;
	s21 =	simm.s32 @!p1 $0x0  }
0x18f: {  	v8 =	vld.msk [tilespmem:$0x16A00 ss:$0x0], $0xffff;
	s22 =	ssub.s32 s22, s24;
	s21 =	ssub.s32 s23, s21  }
0x190: {  	v9 =	vld [tilespmem:s24+$0x15D80];
	v11 =	vmov s22;
	s23 =	sshra.s32 s24, $0x4;
	s22 =	smul.u32 $0x7, s21  }
0x191: {  	v10 =	vld [tilespmem:s24+$0x16A00];
	s31 =	sadd.s32 $0x1, s23  }
0x192: {  	p1 =	sge.s32 s31, s22  }
.Ltmp6:
0x193: {  	_ = 	snop;
	(pc) =	sbr.rel @p1 .LBB2_12-.Ltmp6, $4  }
0x194: {  	vm15 =	vgt.s32 v11, v3  }
0x195: {  	v9 =	vsel vm15, v9, v7  }
0x196: {  	[tilespmem:s24+$0x15D80] =	vst v9;
	v9 =	vsel vm15, v10, v8  }
0x197: {  	[tilespmem:s24+$0x16A00] =	vst v9  }
0x198: {  	s31 =	sxor.u32 $0xFFFFFFFF, s23  }
0x199: {  	s24 =	sshll.u32 s23, $0x6;
	s23 =	sadd.s32 s22, s31  }
0x19a: {  	p1 =	seq.s32 s23, $0x1  }
.Ltmp7:
0x19b: {  	_ = 	snop;
	(pc) =	sbr.rel @p1 .LBB2_12-.Ltmp7, $4  }
0x19c: {  	s25 =	sshra.s32 s24, $0x2  }
0x19d: {  	s24 =	sadd.s32 $0x15D90, s25  }
0x19e: {  	s22 =	sadd.s32 $0x16A10, s25;
	[tilespmem:s24+$0x0] =	vst v7  }
0x19f: {  	s23 =	sadd.s32 $0xFFFFFFFF, s23;
	s24 =	sadd.s32 $0x10, s24;
	[tilespmem:s22+$0x0] =	vst v8  }
.LBB2_11:
0x1a0: {  	[tilespmem:s24+$0x0] =	vst v7;
	s22 =	sadd.s32 $0x10, s22;
	p1 =	seq.s32 s23, $0x1  }
.Ltmp8:
0x1a1: {  	s23 =	sadd.s32 $0xFFFFFFFF, s23;
	[tilespmem:s22+$0x0] =	vst v8;
	(pc) =	sbr.rel @!p1 .LBB2_11-.Ltmp8, $2  }
0x1a2: {  	_ =	sdelay $0x2  }
0x1a3: {  	s24 =	sadd.s32 $0x10, s24  }
.LBB2_12:
0x1a4: {  	p1 =	sgt.s32 s21, $0x0  }
.Ltmp9:
0x1a5: {  	_ = 	snop;
	(pc) =	sbr.rel @!p1 .LBB2_19-.Ltmp9, $1  }
0x1a6: {  	_ =	sdelay $0x3  }
0x1a7: {  	p2 =	sne.s32 s21, $0x1  }
.Ltmp10:
0x1a8: {  	_ = 	snop;
	(pc) =	sbr.rel @!p2 .LBB2_14-.Ltmp10, $3  }
0x1a9: {  	_ =	sdelay $0x1  }
0x1aa: {  	s23 =	simm.s32 $0x16A30  }
0x1ab: {  	s22 =	simm.s32 $0x176B0;
	s24 =	sadd.s32 $0xFFFFFFFF, s21;
	p1 =	por $0x0, $0x0;
	v7 =	vld [tilespmem:s23+$0xFFFFFFD0]  }
0x1ac: {  	_ =	sdelay $0x3  }
0x1ad: {  	[tilespmem:s22+$0xFFFFFFD0] =	vst v7  }
0x1ae: {  	v7 =	vld [tilespmem:s23+$0xFFFFFFE0];
	_ =	sdelay $0x4  }
0x1af: {  	[tilespmem:s22+$0xFFFFFFE0] =	vst v7  }
0x1b0: {  	v7 =	vld [tilespmem:s23+$0xFFFFFFF0];
	_ =	sdelay $0x4  }
0x1b1: {  	[tilespmem:s22+$0xFFFFFFF0] =	vst v7  }
0x1b2: {  	v7 =	vld [tilespmem:s23+$0x0];
	_ =	sdelay $0x4  }
0x1b3: {  	[tilespmem:s22+$0x0] =	vst v7  }
0x1b4: {  	v7 =	vld [tilespmem:s23+$0x10];
	_ =	sdelay $0x4  }
0x1b5: {  	[tilespmem:s22+$0x10] =	vst v7  }
0x1b6: {  	v7 =	vld [tilespmem:s23+$0x20];
	_ =	sdelay $0x4  }
0x1b7: {  	[tilespmem:s22+$0x20] =	vst v7  }
0x1b8: {  	v7 =	vld [tilespmem:s23+$0x30]  }
0x1b9: {  	p2 =	sne.s32 s24, $0x1  }
.Ltmp11:
0x1ba: {  	_ = 	snop;
	(pc) =	sbr.rel @!p2 .LBB2_16-.Ltmp11, $3  }
0x1bb: {  	_ =	sdelay $0x1  }
0x1bc: {  	s23 =	simm.s32 $0x16AA0;
	[tilespmem:s22+$0x30] =	vst v7  }
0x1bd: {  	s25 =	sadd.s32 $0xFFFFFFFF, s24;
	p1 =	por $0x1, $0x1;
	s24 =	simm.s32 $0x176B0;
	v7 =	vld [tilespmem:s23+$0xFFFFFFD0]  }
.LBB2_17:
0x1be: {  	p2 =	sne.s32 s25, $0x1;
	_ =	sdelay $0x2  }
0x1bf: {  	s24 =	sadd.s32 $0x80, s24  }
0x1c0: {  	[tilespmem:s24+$0xFFFFFFD0] =	vst v7  }
0x1c1: {  	v7 =	vld [tilespmem:s23+$0xFFFFFFE0];
	_ =	sdelay $0x4  }
0x1c2: {  	[tilespmem:s24+$0xFFFFFFE0] =	vst v7  }
0x1c3: {  	v7 =	vld [tilespmem:s23+$0xFFFFFFF0];
	_ =	sdelay $0x4  }
0x1c4: {  	[tilespmem:s24+$0xFFFFFFF0] =	vst v7  }
0x1c5: {  	v7 =	vld [tilespmem:s23+$0x0];
	_ =	sdelay $0x4  }
0x1c6: {  	[tilespmem:s24+$0x0] =	vst v7  }
0x1c7: {  	v7 =	vld [tilespmem:s23+$0x10];
	_ =	sdelay $0x4  }
0x1c8: {  	[tilespmem:s24+$0x10] =	vst v7  }
0x1c9: {  	v7 =	vld [tilespmem:s23+$0x20];
	_ =	sdelay $0x4  }
0x1ca: {  	[tilespmem:s24+$0x20] =	vst v7  }
0x1cb: {  	v7 =	vld [tilespmem:s23+$0x30];
	_ =	sdelay $0x1  }
.Ltmp12:
0x1cc: {  	(pc) =	sbr.rel @p2 .LBB2_17-.Ltmp12, $3  }
0x1cd: {  	_ =	sdelay $0x1  }
0x1ce: {  	s23 =	sadd.s32 $0x70, s23;
	[tilespmem:s24+$0x30] =	vst v7  }
0x1cf: {  	s25 =	sadd.s32 $0xFFFFFFFF, s25;
	v7 =	vld [tilespmem:s23+$0xFFFFFFD0]  }
.LBB2_18:
0x1d0: {  	_ =	sdelay $0x1  }
0x1d1: {  	s24 =	sadd.s32 @p1 $0x80, s24  }
0x1d2: {  	s22 =	smov.u32 @p1 s24  }
0x1d3: {  	[tilespmem:s22+$0xFFFFFFD0] =	vst v7  }
0x1d4: {  	v7 =	vld [tilespmem:s23+$0xFFFFFFE0];
	_ =	sdelay $0x4  }
0x1d5: {  	[tilespmem:s22+$0xFFFFFFE0] =	vst v7  }
0x1d6: {  	v7 =	vld [tilespmem:s23+$0xFFFFFFF0];
	_ =	sdelay $0x4  }
0x1d7: {  	[tilespmem:s22+$0xFFFFFFF0] =	vst v7  }
0x1d8: {  	v7 =	vld [tilespmem:s23+$0x0];
	_ =	sdelay $0x4  }
0x1d9: {  	[tilespmem:s22+$0x0] =	vst v7  }
0x1da: {  	v7 =	vld [tilespmem:s23+$0x10];
	_ =	sdelay $0x4  }
0x1db: {  	[tilespmem:s22+$0x10] =	vst v7  }
0x1dc: {  	v7 =	vld [tilespmem:s23+$0x20];
	_ =	sdelay $0x4  }
0x1dd: {  	[tilespmem:s22+$0x20] =	vst v7  }
0x1de: {  	v7 =	vld [tilespmem:s23+$0x30];
	_ =	sdelay $0x4  }
0x1df: {  	[tilespmem:s22+$0x30] =	vst v7  }
.LBB2_19:
0x1e0: {  	_ =	swait.ge [sflag:s17], $0x3800  }
0x1e1: {  	[sflag:s17] =	ssyncset.done $0x0  }
0x1e2: {  	[sflag:s17] =	ssyncadd.s32 $0xFFFFC800  }
0x1e3: {  	_ =	swait.ge [sflag:s17], $0x3800  }
0x1e4: {  	[sflag:s17] =	ssyncset.done $0x0  }
0x1e5: {  	[sflag:s17] =	ssyncadd.s32 $0xFFFFC800  }
0x1e6: {  	_ =	swait.ge [sflag:s17], $0x3800  }
0x1e7: {  	[sflag:s17] =	ssyncset.done $0x0  }
0x1e8: {  	[sflag:s17] =	ssyncadd.s32 $0xFFFFC800  }
0x1e9: {  	_ =	swait.ge [sflag:s17], $0x3800  }
0x1ea: {  	[sflag:s17] =	ssyncset.done $0x0  }
0x1eb: {  	[sflag:s17] =	ssyncadd.s32 $0xFFFFC800  }
0x1ec: {  	_ =	swait.ge [sflag:s17], $0x3800  }
0x1ed: {  	[sflag:s17] =	ssyncset.done $0x0  }
0x1ee: {  	[sflag:s17] =	ssyncadd.s32 $0xFFFFC800  }
0x1ef: {  	_ =	swait.ge [sflag:s17], $0x3800  }
0x1f0: {  	[sflag:s17] =	ssyncset.done $0x0  }
0x1f1: {  	[sflag:s17] =	ssyncadd.s32 $0xFFFFC800  }
0x1f2: {  	_ =	swait.ge [sflag:s17], $0x3800  }
0x1f3: {  	[sflag:s17] =	ssyncset.done $0x0  }
0x1f4: {  	[sflag:s17] =	ssyncadd.s32 $0xFFFFC800  }
0x1f5: {  	_ =	swait.ge [sflag:s17], $0x3800  }
0x1f6: {  	[sflag:s17] =	ssyncset.done $0x0  }
0x1f7: {  	[sflag:s17] =	ssyncadd.s32 $0xFFFFC800  }
0x1f8: {  	_ =	swait.ge [sflag:s17], $0x3800  }
0x1f9: {  	[sflag:s17] =	ssyncset.done $0x0  }
0x1fa: {  	[sflag:s17] =	ssyncadd.s32 $0xFFFFC800  }
0x1fb: {  	_ =	swait.ge [sflag:s17], $0x3800  }
0x1fc: {  	[sflag:s17] =	ssyncset.done $0x0  }
0x1fd: {  	[sflag:s17] =	ssyncadd.s32 $0xFFFFC800  }
0x1fe: {  	_ =	swait.ge [sflag:s17], $0x3800  }
0x1ff: {  	[sflag:s17] =	ssyncset.done $0x0  }
0x200: {  	[sflag:s17] =	ssyncadd.s32 $0xFFFFC800  }
0x201: {  	_ =	swait.ge [sflag:s17], $0x3800  }
0x202: {  	[sflag:s17] =	ssyncset.done $0x0  }
0x203: {  	[sflag:s17] =	ssyncadd.s32 $0xFFFFC800  }
0x204: {  	_ =	swait.ge [sflag:s17], $0x3800  }
0x205: {  	[sflag:s17] =	ssyncset.done $0x0  }
0x206: {  	[sflag:s17] =	ssyncadd.s32 $0xFFFFC800  }
0x207: {  	_ =	swait.ge [sflag:s17], $0x3800  }
0x208: {  	[sflag:s17] =	ssyncset.done $0x0  }
0x209: {  	[sflag:s17] =	ssyncadd.s32 $0xFFFFC800  }
0x20a: {  	_ =	swait.ge [sflag:s17], $0x3800  }
0x20b: {  	[sflag:s17] =	ssyncset.done $0x0  }
0x20c: {  	[sflag:s17] =	ssyncadd.s32 $0xFFFFC800  }
0x20d: {  	_ =	swait.ge [sflag:s17], $0x3800  }
0x20e: {  	[sflag:s17] =	ssyncset.done $0x0  }
0x20f: {  	[sflag:s17] =	ssyncadd.s32 $0xFFFFC800  }
0x210: {  	_ =	swait.ge [sflag:s17], $0x3800  }
0x211: {  	[sflag:s17] =	ssyncset.done $0x0  }
0x212: {  	[sflag:s17] =	ssyncadd.s32 $0xFFFFC800  }
0x213: {  	_ =	swait.ge [sflag:s17], $0x3800  }
0x214: {  	[sflag:s17] =	ssyncset.done $0x0  }
0x215: {  	[sflag:s17] =	ssyncadd.s32 $0xFFFFC800  }
0x216: {  	_ =	swait.ge [sflag:s17], $0x3800  }
0x217: {  	[sflag:s17] =	ssyncset.done $0x0  }
0x218: {  	[sflag:s17] =	ssyncadd.s32 $0xFFFFC800  }
0x219: {  	_ =	swait.ge [sflag:s17], $0x3800  }
0x21a: {  	[sflag:s17] =	ssyncset.done $0x0  }
0x21b: {  	[sflag:s17] =	ssyncadd.s32 $0xFFFFC800  }
0x21c: {  	_ =	swait.ge [sflag:s17], $0x3800  }
0x21d: {  	[sflag:s17] =	ssyncset.done $0x0  }
0x21e: {  	[sflag:s17] =	ssyncadd.s32 $0xFFFFC800  }
0x21f: {  	_ =	swait.ge [sflag:s17], $0x3800  }
0x220: {  	[sflag:s17] =	ssyncset.done $0x0  }
0x221: {  	[sflag:s17] =	ssyncadd.s32 $0xFFFFC800  }
0x222: {  	_ =	swait.ge [sflag:s17], $0x3800  }
0x223: {  	[sflag:s17] =	ssyncset.done $0x0  }
0x224: {  	[sflag:s17] =	ssyncadd.s32 $0xFFFFC800  }
0x225: {  	_ =	swait.ge [sflag:s17], $0x3800  }
0x226: {  	s22 =	sadd.s32 $0x1, s21;
	[sflag:s17] =	ssyncset.done $0x0  }
0x227: {  	p1 =	slt.s32 s21, $0x0;
	s23 =	sand.u32 $0x1, s22;
	[sflag:s17] =	ssyncadd.s32 $0xFFFFC800  }
0x228: {  	s31 =	sshrl.u32 s22, $0x1F;
	p2 =	seq.s32 s23, $0x1;
	_ =	swait.ge [sflag:s17], $0x3800  }
0x229: {  	s22 =	sadd.s32 s31, s22;
	p1 =	por !p1, !p2;
	[sflag:s17] =	ssyncset.done $0x0  }
0x22a: {  	s23 =	simm.s32 $0x1;
	p1 =	por !p1, !p1;
	[sflag:s17] =	ssyncadd.s32 $0xFFFFC800  }
0x22b: {  	s22 =	sshra.s32 s22, $0x1;
	s23 =	simm.s32 @!p1 $0x0;
	_ =	swait.ge [sflag:s17], $0x3800  }
0x22c: {  	s22 =	ssub.s32 s22, s23;
	[sflag:s17] =	ssyncset.done $0x0  }
0x22d: {  	p1 =	slt.s32 s22, $0x1;
	[sflag:s17] =	ssyncadd.s32 $0xFFFFC800  }
.Ltmp13:
0x22e: {  	_ =	swait.ge [sflag:s17], $0x3800;
	(pc) =	sbr.rel @p1 .LBB2_25-.Ltmp13, $4  }
0x22f: {  	[sflag:s17] =	ssyncset.done $0x0  }
0x230: {  	[sflag:s17] =	ssyncadd.s32 $0xFFFFC800  }
0x231: {  	_ =	strace $0x9000004D  }
0x232: {  	_ =	strace $0x8000004E  }
0x233: {  	s25 =	sadd.s32 $0xFFFFFFFF, s22  }
0x234: {  	p2 =	sne.s32 s25, $0x0  }
.Ltmp14:
0x235: {  	_ = 	snop;
	(pc) =	sbr.rel @!p2 .LBB2_21-.Ltmp14, $3  }
0x236: {  	_ =	sdelay $0x1  }
0x237: {  	s22 =	simm.s32 $0x17680  }
0x238: {  	s23 =	simm.s32 $0x15D80;
	s24 =	simm.s32 $0x1;
	p1 =	por $0x0, $0x0  }
0x239: {  	p1 =	sle.s32 s21, $0x1  }
0x23a: {  	[tilespmem:s19], [sflag:$0x1] =	stream.indirect.gather [hbm4b:s2+s18], $0x80, s23, s18, $0x2000b8;
	[tilespmem:$0x1F680] =	vst v63  }
0x23b: {  	s24 =	simm.s32 @p1 $0x1  }
0x23c: {  	_ =	swait.ge @p1 [sflag:s24], $0x3800  }
0x23d: {  	s23 =	simm.s32 @!p1 $0x1BE80;
	[sflag:s24] =	ssyncset.done @p1 $0x0  }
0x23e: {  	s26 =	simm.s32 @p1 $0x70;
	s28 =	simm.s32 @p1 $0x18680;
	[sflag:s24] =	ssyncadd.s32 @p1 $0xFFFFC800  }
0x23f: {  	[hbm4b:s5+s26] =	stream.indirect.scatter @p1 [tilespmem:s28], [sflag:$0x1], $0x80, s22, s26, $0x2000b8;
	[tilespmem:$0x1F680] =	vst v63  }
0x240: {  	s29 =	simm.s32 @!p1 $0x1;
	s24 =	simm.s32 @!p1 $0x15DF0;
	s28 =	simm.s32 @!p1 $0x70  }
0x241: {  	[tilespmem:s23], [sflag:$0x2] =	stream.indirect.gather @!p1 [hbm4b:s2+s28], $0x80, s24, s28, $0x2000b8;
	[tilespmem:$0x1F680] =	vst v63  }
0x242: {  	_ =	swait.ge @!p1 [sflag:s29], $0x3800  }
0x243: {  	[sflag:s29] =	ssyncset.done @!p1 $0x0  }
0x244: {  	s24 =	simm.s32 @!p1 $0x18680;
	[sflag:s29] =	ssyncadd.s32 @!p1 $0xFFFFC800  }
0x245: {  	[hbm4b:s5+s28] =	stream.indirect.scatter @!p1 [tilespmem:s24], [sflag:$0x1], $0x80, s22, s28, $0x2000b8;
	[tilespmem:$0x1F680] =	vst v63  }
0x246: {  	_ =	swait.ge @!p1 [sflag:s29], $0x3800  }
0x247: {  	[sflag:s29] =	ssyncset.done @!p1 $0x0  }
0x248: {  	s25 =	sadd.s32 $0xFFFFFFFF, s25;
	s26 =	simm.s32 @!p1 $0x2;
	[sflag:s29] =	ssyncadd.s32 @!p1 $0xFFFFC800  }
0x249: {  	p2 =	sne.s32 s25, $0x0;
	_ =	swait.ge @!p1 [sflag:s26], $0x3800  }
.Ltmp15:
0x24a: {  	[sflag:s26] =	ssyncset.done @!p1 $0x0;
	(pc) =	sbr.rel @!p2 .LBB2_24-.Ltmp15, $4  }
0x24b: {  	s22 =	simm.s32 @!p1 $0x17700;
	[sflag:s26] =	ssyncadd.s32 @!p1 $0xFFFFC800  }
0x24c: {  	[hbm4b:s5+s28] =	stream.indirect.scatter @!p1 [tilespmem:s23], [sflag:$0x2], $0x80, s22, s28, $0x2000b8;
	[tilespmem:$0x1F680] =	vst v63  }
0x24d: {  	s24 =	simm.s32 $0x3;
	s26 =	simm.s32 @p1 $0x1;
	s23 =	simm.s32 $0x15E60  }
0x24e: {  	s22 =	simm.s32 $0x17780;
	p1 =	por $0x1, $0x1;
	_ =	swait.ge [sflag:s26], $0x3800  }
.LBB2_23:
0x24f: {  	s25 =	sadd.s32 $0xFFFFFFFF, s25;
	p3 =	sge.s32 s24, s21;
	[sflag:s26] =	ssyncset.done $0x0  }
0x250: {  	p2 =	sne.s32 s25, $0x0;
	s28 =	simm.s32 @p3 $0x1;
	[sflag:s26] =	ssyncadd.s32 $0xFFFFC800  }
0x251: {  	[tilespmem:s19], [sflag:$0x1] =	stream.indirect.gather [hbm4b:s2+s18], $0x80, s23, s18, $0x2000b8;
	[tilespmem:$0x1F680] =	vst v63  }
0x252: {  	s29 =	simm.s32 @!p3 $0x1BE80;
	_ =	swait.ge @p3 [sflag:s28], $0x3800  }
0x253: {  	s26 =	simm.s32 @p3 $0x70;
	s30 =	simm.s32 @p3 $0x18680;
	[sflag:s28] =	ssyncset.done @p3 $0x0  }
0x254: {  	s31 =	simm.s32 @!p3 $0x70;
	[sflag:s28] =	ssyncadd.s32 @p3 $0xFFFFC800;
	s28 =	sadd.s32 @!p3 $0x70, s23  }
0x255: {  	[hbm4b:s5+s26] =	stream.indirect.scatter @p3 [tilespmem:s30], [sflag:$0x1], $0x80, s22, s26, $0x2000b8;
	[tilespmem:$0x1F680] =	vst v63  }
0x256: {  	s30 =	simm.s32 @!p3 $0x1  }
0x257: {  	[tilespmem:s29], [sflag:$0x2] =	stream.indirect.gather @!p3 [hbm4b:s2+s31], $0x80, s28, s31, $0x2000b8;
	[tilespmem:$0x1F680] =	vst v63  }
0x258: {  	_ =	swait.ge @!p3 [sflag:s30], $0x3800  }
0x259: {  	s26 =	simm.s32 @!p3 $0x18680;
	[sflag:s30] =	ssyncset.done @!p3 $0x0  }
0x25a: {  	[sflag:s30] =	ssyncadd.s32 @!p3 $0xFFFFC800  }
0x25b: {  	[hbm4b:s5+s31] =	stream.indirect.scatter @!p3 [tilespmem:s26], [sflag:$0x1], $0x80, s22, s31, $0x2000b8;
	[tilespmem:$0x1F680] =	vst v63  }
0x25c: {  	_ =	swait.ge @!p3 [sflag:s30], $0x3800  }
0x25d: {  	s26 =	simm.s32 @!p3 $0x2;
	[sflag:s30] =	ssyncset.done @!p3 $0x0  }
0x25e: {  	[sflag:s30] =	ssyncadd.s32 @!p3 $0xFFFFC800  }
.Ltmp16:
0x25f: {  	_ =	swait.ge @!p3 [sflag:s26], $0x3800;
	(pc) =	sbr.rel @p2 .LBB2_23-.Ltmp16, $4  }
0x260: {  	s28 =	sadd.s32 @!p3 $0x80, s22;
	[sflag:s26] =	ssyncset.done @!p3 $0x0  }
0x261: {  	s23 =	sadd.s32 $0xE0, s23;
	[sflag:s26] =	ssyncadd.s32 @!p3 $0xFFFFC800;
	s26 =	simm.s32 @p3 $0x1  }
0x262: {  	[hbm4b:s5+s31] =	stream.indirect.scatter @!p3 [tilespmem:s29], [sflag:$0x2], $0x80, s28, s31, $0x2000b8;
	[tilespmem:$0x1F680] =	vst v63  }
0x263: {  	s24 =	sadd.s32 $0x2, s24;
	s22 =	sadd.s32 $0x100, s22;
	_ =	swait.ge [sflag:s26], $0x3800  }
.Ltmp17:
0x264: {  	_ = 	snop;
	(pc) =	sbr.rel .LBB2_24-.Ltmp17, $1  }
0x265: {  	_ =	sdelay $0x3  }
.LBB2_14:
.Ltmp18:
0x266: {  	(pc) =	sbr.rel .LBB2_18-.Ltmp18, $2  }
0x267: {  	_ =	sdelay $0x2  }
0x268: {  	s24 =	simm.s32 $0x176B0  }
.LBB2_16:
.Ltmp19:
0x269: {  	(pc) =	sbr.rel .LBB2_18-.Ltmp19, $2  }
0x26a: {  	_ =	sdelay $0x2  }
0x26b: {  	s24 =	simm.s32 $0x176B0  }
.LBB2_26:
0x26c: {  	_ =	sfence.sel $0x180000  }
0x26d: {  	[bflag:$0x0] =	sbarrier.arrive $0xFFFF  }
0x26e: {  	_ =	strace $0x90000047  }
0x26f: {  	s0 =	stileid.u32;
	[bflag:$0x2] =	sbarrier.arrive $0xFFFF  }
0x270: {  	p0 =	sne.s32 s0, $0x0;
	s0 =	rddreg [dreg:$0x6]  }
0x271: {  	s0 =	sadd.s32 @!p0 $0x100000, s0  }
0x272: {  	[sflag:s0] =	ssyncadd.tile.s32 @!p0 $0x1;
	_ =	shalt  }
.Lfunc_end2:
_tile_overlayer_lowered:
.L_overlay_start_2:
0x273: {  	(tag) =	ssettag $0x2  }
0x274: {  	s0 =	rddreg [dreg:$0x0];
	s2 =	stileid.u32  }
0x275: {  	s1 =	rddreg [dreg:$0x1];
	p0 =	sne.s32 s2, $0x0  }
0x276: {  	s3 =	rddreg [dreg:$0x2];
	[bflag:$0x3] =	sbarrier.arrive $0xFFFF;
	s2 =	simm.s32 @!p0 $0x1C05  }
0x277: {  	[timem:s3], [sflag:s2] =	dma.local @!p0 [hbm:s0], s1  }
0x278: {  	s0 =	simm.s32 @!p0 $0x5  }
0x279: {  	_ =	swait.ge @!p0 [sflag:s0], s1  }
0x27a: {  	s1 =	ssub.s32 @!p0 $0x0, s1;
	[sflag:s0] =	ssyncset.done @!p0 $0x0  }
0x27b: {  	[sflag:s0] =	ssyncadd.s32 @!p0 s1  }
0x27c: {  	[bflag:$0x3] =	sbarrier.arrive $0xFFFF  }
0x27d: {  	_ =	shalt  }

</sc_bundles>
